<compile_context>
chip_gen: v7x
topology: tpu7x:2x2x1
jax: 0.10.2.dev20260603
libtpu: 0.0.44.dev20260713+nightly
codegen_flags: <defaults>
</compile_context>

<pallas_src>
import functools

import jax
import jax.numpy as jnp
from jax import lax
from jax.experimental import pallas as pl
from jax.experimental.pallas import tpu as pltpu
from jax.experimental.pallas import tpu_sc as plsc

NC = 2
NS = 16
L = 16
NW = NC * NS


def _largest_divisor(n, cap, mult):
    d = 0
    for c in range(mult, cap + 1, mult):
        if n % c == 0:
            d = c
    return d




def _hist_body(np_, ew, ch, stripe, dst_hbm, out_hbm, idxv, onesv, tmpv, deg_sp):
    c = lax.axis_index("c")
    s = lax.axis_index("s")
    wid = s * NC + c

    def fill_ones(j, _):
        onesv[pl.ds(j * L, L)] = jnp.full((L,), 1.0, jnp.float32)
        return 0

    lax.fori_loop(0, ch // L, fill_ones, 0)

    def fill_zero(j, _):
        tmpv[pl.ds(j * L, L)] = jnp.zeros((L,), jnp.float32)
        return 0

    lax.fori_loop(0, stripe // L, fill_zero, 0)
    pltpu.sync_copy(tmpv, deg_sp.at[pl.ds(s * stripe, stripe)])
    plsc.subcore_barrier()

    def chunk(i, _):
        base = wid * ew + i * ch
        pltpu.sync_copy(dst_hbm.at[pl.ds(base, ch)], idxv)
        pltpu.sync_copy(onesv, deg_sp.at[idxv], add=True)
        return 0

    lax.fori_loop(0, ew // ch, chunk, 0)
    plsc.subcore_barrier()
    pltpu.sync_copy(deg_sp.at[pl.ds(s * stripe, stripe)], tmpv)
    pltpu.sync_copy(tmpv, out_hbm.at[pl.ds(c * np_ + s * stripe, stripe)])


def _make_hist(np_, e):
    ew = e // NW
    ch = _largest_divisor(ew, 20000, 16)
    stripe = np_ // NS
    mesh = plsc.VectorSubcoreMesh(core_axis_name="c", subcore_axis_name="s")
    params = pltpu.CompilerParams(needs_layout_passes=False)
    return pl.kernel(
        functools.partial(_hist_body, np_, ew, ch, stripe),
        out_type=jax.ShapeDtypeStruct((NC * np_,), jnp.float32),
        mesh=mesh,
        compiler_params=params,
        scratch_types=[
            pltpu.VMEM((ch,), jnp.int32),
            pltpu.VMEM((ch,), jnp.float32),
            pltpu.VMEM((stripe,), jnp.float32),
            pltpu.VMEM_SHARED((np_,), jnp.float32),
        ],
    )


def _pass_body(np_, ew, cp, stripe, src_hbm, dst_hbm, tab_hbm, out_hbm,
               tabv, srcv, dstv, valsv, agg_sp):
    c = lax.axis_index("c")
    s = lax.axis_index("s")
    wid = s * NC + c

    pltpu.sync_copy(tab_hbm, tabv)

    def fill_zero(j, _):
        valsv[pl.ds(j * L, L)] = jnp.zeros((L,), jnp.float32)
        return 0

    lax.fori_loop(0, stripe // L, fill_zero, 0)
    pltpu.sync_copy(valsv.at[pl.ds(0, stripe)], agg_sp.at[pl.ds(s * stripe, stripe)])
    plsc.subcore_barrier()

    def chunk(i, _):
        base = wid * ew + i * cp
        pltpu.sync_copy(src_hbm.at[pl.ds(base, cp)], srcv)
        pltpu.sync_copy(dst_hbm.at[pl.ds(base, cp)], dstv)

        def gather(j, _):
            idx = srcv[pl.ds(j * L, L)]
            valsv[pl.ds(j * L, L)] = plsc.load_gather(tabv, [idx])
            return 0

        lax.fori_loop(0, cp // L, gather, 0)
        pltpu.sync_copy(valsv, agg_sp.at[dstv], add=True)
        return 0

    lax.fori_loop(0, ew // cp, chunk, 0)
    plsc.subcore_barrier()
    pltpu.sync_copy(agg_sp.at[pl.ds(s * stripe, stripe)], valsv.at[pl.ds(0, stripe)])
    pltpu.sync_copy(valsv.at[pl.ds(0, stripe)],
                    out_hbm.at[pl.ds(c * np_ + s * stripe, stripe)])


def _make_pass(np_, e):
    ew = e // NW
    cap = min(10000, (2090000 - 17 * np_) // (3 * NS))
    cp = _largest_divisor(ew, cap, 16)
    stripe = np_ // NS
    mesh = plsc.VectorSubcoreMesh(core_axis_name="c", subcore_axis_name="s")
    params = pltpu.CompilerParams(needs_layout_passes=False)
    return pl.kernel(
        functools.partial(_pass_body, np_, ew, cp, stripe),
        out_type=jax.ShapeDtypeStruct((NC * np_,), jnp.float32),
        mesh=mesh,
        compiler_params=params,
        scratch_types=[
            pltpu.VMEM((np_,), jnp.float32),
            pltpu.VMEM((cp,), jnp.int32),
            pltpu.VMEM((cp,), jnp.int32),
            pltpu.VMEM((cp,), jnp.float32),
            pltpu.VMEM_SHARED((np_,), jnp.float32),
        ],
    )




def _ew1_body(degp_ref, x_ref, u_ref, dinv_ref):
    deg = degp_ref[0] + degp_ref[1] + 1.0
    di = lax.rsqrt(deg)
    dinv_ref[...] = di
    u_ref[...] = x_ref[...] * di


def _ew2_body(h, abc_ref, aggp_ref, u_ref, dinv_ref, v_ref):
    di = dinv_ref[...]
    s1 = di * (aggp_ref[0] + aggp_ref[1] + u_ref[...])
    acc = jnp.zeros_like(s1)
    for k in range(h):
        acc = acc + abc_ref[2, k] * jnp.maximum(s1 * abc_ref[0, k] + abc_ref[1, k], 0.0)
    v_ref[...] = acc * di


def _ew3_body(b2_ref, aggp_ref, v_ref, dinv_ref, out_ref):
    t = dinv_ref[...] * (aggp_ref[0] + aggp_ref[1] + v_ref[...]) + b2_ref[0]
    out_ref[...] = jnp.clip(t, -0.5, 9.5)




def kernel(x, edge_index, W1, b1, W2, b2):
    n = x.shape[0]
    e = edge_index.shape[1]
    h = W1.shape[1]
    np_ = ((n + 127) // 128) * 128
    rows = np_ // 128

    src = edge_index[0]
    dst = edge_index[1]
    xp = jnp.pad(x[:, 0], (0, np_ - n)).reshape(rows, 128)

    hist = _make_hist(np_, e)
    edge_pass = _make_pass(np_, e)

    degp = hist(dst)

    u, dinv = pl.pallas_call(
        _ew1_body,
        in_specs=[pl.BlockSpec(memory_space=pltpu.VMEM)] * 2,
        out_specs=[pl.BlockSpec(memory_space=pltpu.VMEM)] * 2,
        out_shape=[jax.ShapeDtypeStruct((rows, 128), jnp.float32)] * 2,
    )(degp.reshape(NC, rows, 128), xp)

    agg1p = edge_pass(src, dst, u.reshape(np_))

    abc = jnp.stack([W1[0, :], b1, W2[:, 0]])
    v = pl.pallas_call(
        functools.partial(_ew2_body, h),
        in_specs=[pl.BlockSpec(memory_space=pltpu.SMEM)]
        + [pl.BlockSpec(memory_space=pltpu.VMEM)] * 3,
        out_specs=pl.BlockSpec(memory_space=pltpu.VMEM),
        out_shape=jax.ShapeDtypeStruct((rows, 128), jnp.float32),
    )(abc, agg1p.reshape(NC, rows, 128), u, dinv)

    agg2p = edge_pass(src, dst, v.reshape(np_))

    out = pl.pallas_call(
        _ew3_body,
        in_specs=[pl.BlockSpec(memory_space=pltpu.SMEM)]
        + [pl.BlockSpec(memory_space=pltpu.VMEM)] * 3,
        out_specs=pl.BlockSpec(memory_space=pltpu.VMEM),
        out_shape=jax.ShapeDtypeStruct((rows, 128), jnp.float32),
    )(b2, agg2p.reshape(NC, rows, 128), v, dinv)

    return out.reshape(np_)[:n, None]

# --- scband reference (transcript-rebuilt; emitter-appended) ---
"""Pipeline reference for scband-gcn-33560874451187 (READ-ONLY COPY).

The authoritative reference and input builder live on the scoring server;
editing this copy changes nothing except your own understanding.
"""

import jax, jax.numpy as jnp
import numpy as np

N = 100000
E = 6400000


def glorot(key, shape):
    fan_in, fan_out = shape[0], shape[1]
    limit = float(np.sqrt(6.0 / (fan_in + fan_out)))
    return jax.random.uniform(key, shape, dtype=jnp.float32, minval=-limit, maxval=limit)


def setup_inputs(seed: int = 0):
    key = jax.random.key(seed)
    k1, k2, k3, k4 = jax.random.split(key, 4)
    x = jax.random.normal(k1, (N, 1), dtype=jnp.float32)
    edge_index = jax.random.randint(k2, (2, E), 0, N, dtype=jnp.int32)
    W1 = glorot(k3, (1, 10))
    b1 = jnp.zeros((10,), dtype=jnp.float32)
    W2 = glorot(k4, (10, 1))
    b2 = jnp.zeros((1,), dtype=jnp.float32)
    return {"x": x, "edge_index": edge_index, "W1": W1, "b1": b1, "W2": W2, "b2": b2}


def gcn_conv(x, edge_index, edge_weight, W, b, num_nodes):
    # PyG GCNConv: add self-loops (weight 1), symmetric normalization, linear, scatter-add aggregation, bias
    src = edge_index[0]
    dst = edge_index[1]
    loop = jnp.arange(num_nodes, dtype=src.dtype)
    src = jnp.concatenate([src, loop])
    dst = jnp.concatenate([dst, loop])
    ew = jnp.concatenate([edge_weight, jnp.ones((num_nodes,), dtype=edge_weight.dtype)])
    deg = jnp.zeros((num_nodes,), dtype=x.dtype).at[dst].add(ew)
    deg_inv_sqrt = jnp.where(deg > 0, jax.lax.rsqrt(jnp.where(deg > 0, deg, 1.0)), 0.0)
    norm = deg_inv_sqrt[src] * ew * deg_inv_sqrt[dst]
    xw = x @ W
    msg = jnp.take(xw, src, axis=0) * norm[:, None]
    out = jnp.zeros((num_nodes, W.shape[1]), dtype=x.dtype).at[dst].add(msg)
    return out + b


def reference(x, edge_index, W1, b1, W2, b2):
    num_nodes = x.shape[0]
    edge_weight = jnp.ones((edge_index.shape[1],), dtype=x.dtype)
    h = gcn_conv(x, edge_index, edge_weight, W1, b1, num_nodes)
    h = jax.nn.relu(h)
    h = gcn_conv(h, edge_index, edge_weight, W2, b2, num_nodes)
    return jnp.clip(h, -0.5, 9.5)

if __name__ == "__main__":
    import jax
    _d = setup_inputs()
    print(jax.jit(kernel)(*tuple(_d.values())))

</pallas_src>

<mosaic_0001>
#map = affine_map<(d0, d1) -> (0)>
module attributes {stable_mosaic.version = 14 : i64} {
  func.func @_hist_body(%arg0: i32, %arg1: i32, %arg2: memref<6400000xi32, #tpu.memory_space<hbm>>, %arg3: memref<200192xf32, #tpu.memory_space<hbm>>, %arg4: memref<20000xi32, #tpu.memory_space<vmem>>, %arg5: memref<20000xf32, #tpu.memory_space<vmem>>, %arg6: memref<6256xf32, #tpu.memory_space<vmem>>, %arg7: memref<100096xf32, #tpu.memory_space<vmem_shared>>) attributes {dimension_semantics = [#tpu.dimension_semantics<core_parallel>, #tpu.dimension_semantics<subcore_parallel>], iteration_bounds = array<i64: 2, 16>, scalar_prefetch = 0 : i64, scratch_operands = 4 : i64, tpu.core_type = #tpu.core_type<sc_vector_subcore>, window_params = [{transform_indices = #map}, {transform_indices = #map}]} {
    %mul3A = arith.constant 2 : i32
    %mul3A_0 = arith.muli %arg1, %mul3A : i32
    %add3A = arith.addi %mul3A_0, %arg0 : i32
    %scan3A = arith.constant 0 : i32
    %scan3A_1 = arith.constant 0 : i32
    %scan3A_2 = arith.constant 1250 : i32
    %scan3A_3 = arith.addi %scan3A_1, %scan3A_2 : i32
    %scan3A_4 = arith.constant 1 : i32
    %scan3A_5 = scf.for %scan3A_31 = %scan3A_1 to %scan3A_3 step %scan3A_4 iter_args(%scan3A_32 = %scan3A) -> (i32)  : i32 {
      %broadcast_in_dim3A = arith.constant 1.000000e+00 : f32
      %broadcast_in_dim3A_33 = vector.broadcast %broadcast_in_dim3A : f32 to vector<16xf32>
      %mul3A_34 = arith.constant 16 : i32
      %mul3A_35 = arith.muli %scan3A_31, %mul3A_34 : i32
      %swap3A = arith.index_cast %mul3A_35 : i32 to index
      %swap3A_36 = tpu.vector_load %arg5[%swap3A] {strides = array<i32>} : memref<20000xf32, #tpu.memory_space<vmem>>, vector<16xf32>,
      tpu.vector_store %arg5[%swap3A], %broadcast_in_dim3A_33 {strides = array<i32>} : memref<20000xf32, #tpu.memory_space<vmem>>, vector<16xf32>,
      %scan3A_37 = arith.constant 0 : i32
      scf.yield %scan3A_37 : i32
    }
    %scan3A_6 = arith.constant 1250 : i32
    %scan3A_7 = arith.constant 0 : i32
    %scan3A_8 = arith.constant 0 : i32
    %scan3A_9 = arith.constant 391 : i32
    %scan3A_10 = arith.addi %scan3A_8, %scan3A_9 : i32
    %scan3A_11 = arith.constant 1 : i32
    %scan3A_12 = scf.for %scan3A_31 = %scan3A_8 to %scan3A_10 step %scan3A_11 iter_args(%scan3A_32 = %scan3A_7) -> (i32)  : i32 {
      %broadcast_in_dim3A = arith.constant 0.000000e+00 : f32
      %broadcast_in_dim3A_33 = vector.broadcast %broadcast_in_dim3A : f32 to vector<16xf32>
      %mul3A_34 = arith.constant 16 : i32
      %mul3A_35 = arith.muli %scan3A_31, %mul3A_34 : i32
      %swap3A = arith.index_cast %mul3A_35 : i32 to index
      %swap3A_36 = tpu.vector_load %arg6[%swap3A] {strides = array<i32>} : memref<6256xf32, #tpu.memory_space<vmem>>, vector<16xf32>,
      tpu.vector_store %arg6[%swap3A], %broadcast_in_dim3A_33 {strides = array<i32>} : memref<6256xf32, #tpu.memory_space<vmem>>, vector<16xf32>,
      %scan3A_37 = arith.constant 0 : i32
      scf.yield %scan3A_37 : i32
    }
    %scan3A_13 = arith.constant 391 : i32
    %mul3A_14 = arith.constant 6256 : i32
    %mul3A_15 = arith.muli %arg1, %mul3A_14 : i32
    "tpu.region"() ({
      %run_scoped3A = tpu.sem_alloc : memref<!tpu.dma_semaphore, #tpu.memory_space<semaphore_mem>>
      %dma_start3A = tpu.memref_slice %arg7[%mul3A_15] : memref<100096xf32, #tpu.memory_space<vmem_shared>> -> memref<6256xf32, #tpu.memory_space<vmem_shared>>
      %dma_start3A_31 = tpu.memref_slice %arg7[%mul3A_15] : memref<100096xf32, #tpu.memory_space<vmem_shared>> -> memref<6256xf32, #tpu.memory_space<vmem_shared>>
      tpu.enqueue_dma source(%arg6 : memref<6256xf32, #tpu.memory_space<vmem>>) target(%dma_start3A_31 : memref<6256xf32, #tpu.memory_space<vmem_shared>>) target_semaphore(%run_scoped3A : memref<!tpu.dma_semaphore, #tpu.memory_space<semaphore_mem>>)
      %dma_wait3A = tpu.memref_slice %arg7[%mul3A_15] : memref<100096xf32, #tpu.memory_space<vmem_shared>> -> memref<6256xf32, #tpu.memory_space<vmem_shared>>
      %dma_wait3A_32 = tpu.memref_slice %arg7[%mul3A_15] : memref<100096xf32, #tpu.memory_space<vmem_shared>> -> memref<6256xf32, #tpu.memory_space<vmem_shared>>
      tpu.wait_dma2 semaphore(%run_scoped3A : memref<!tpu.dma_semaphore, #tpu.memory_space<semaphore_mem>>) src(%arg6 : memref<6256xf32, #tpu.memory_space<vmem>>) dst(%dma_wait3A_32 : memref<6256xf32, #tpu.memory_space<vmem_shared>>)
      tpu.yield
    }) : () -> ()
    %barrier3A = arith.constant 0 : index
    tpu.barrier barrier_id(%barrier3A)
    %scan3A_16 = arith.constant 0 : i32
    %scan3A_17 = arith.constant 0 : i32
    %scan3A_18 = arith.constant 10 : i32
    %scan3A_19 = arith.addi %scan3A_17, %scan3A_18 : i32
    %scan3A_20 = arith.constant 1 : i32
    %scan3A_21 = scf.for %scan3A_31 = %scan3A_17 to %scan3A_19 step %scan3A_20 iter_args(%scan3A_32 = %scan3A_16) -> (i32)  : i32 {
      %mul3A_33 = arith.constant 200000 : i32
      %mul3A_34 = arith.muli %add3A, %mul3A_33 : i32
      %mul3A_35 = arith.constant 20000 : i32
      %mul3A_36 = arith.muli %scan3A_31, %mul3A_35 : i32
      %add3A_37 = arith.addi %mul3A_34, %mul3A_36 : i32
      "tpu.region"() ({
        %run_scoped3A = tpu.sem_alloc : memref<!tpu.dma_semaphore, #tpu.memory_space<semaphore_mem>>
        %dma_start3A = tpu.memref_slice %arg2[%add3A_37] : memref<6400000xi32, #tpu.memory_space<hbm>> -> memref<20000xi32, #tpu.memory_space<hbm>>
        %dma_start3A_39 = tpu.memref_slice %arg2[%add3A_37] : memref<6400000xi32, #tpu.memory_space<hbm>> -> memref<20000xi32, #tpu.memory_space<hbm>>
        tpu.enqueue_dma source(%dma_start3A_39 : memref<20000xi32, #tpu.memory_space<hbm>>) target(%arg4 : memref<20000xi32, #tpu.memory_space<vmem>>) target_semaphore(%run_scoped3A : memref<!tpu.dma_semaphore, #tpu.memory_space<semaphore_mem>>)
        %dma_wait3A = tpu.memref_slice %arg2[%add3A_37] : memref<6400000xi32, #tpu.memory_space<hbm>> -> memref<20000xi32, #tpu.memory_space<hbm>>
        %dma_wait3A_40 = tpu.memref_slice %arg2[%add3A_37] : memref<6400000xi32, #tpu.memory_space<hbm>> -> memref<20000xi32, #tpu.memory_space<hbm>>
        tpu.wait_dma2 semaphore(%run_scoped3A : memref<!tpu.dma_semaphore, #tpu.memory_space<semaphore_mem>>) src(%dma_wait3A_40 : memref<20000xi32, #tpu.memory_space<hbm>>) dst(%arg4 : memref<20000xi32, #tpu.memory_space<vmem>>)
        tpu.yield
      }) : () -> ()
      "tpu.region"() ({
        %run_scoped3A = tpu.sem_alloc : memref<!tpu.dma_semaphore, #tpu.memory_space<semaphore_mem>>
        %dma_start3A = arith.constant 0 : i32
        %dma_start3A_39 = tpu.memref_slice %arg7[%dma_start3A] : memref<100096xf32, #tpu.memory_space<vmem_shared>> -> memref<100096xf32, #tpu.memory_space<vmem_shared>>
        tpu.enqueue_indirect_dma source(%arg5 : memref<20000xf32, #tpu.memory_space<vmem>>) target(%dma_start3A_39 : memref<100096xf32, #tpu.memory_space<vmem_shared>>) offsets(%arg4 : memref<20000xi32, #tpu.memory_space<vmem>>) semaphore(%run_scoped3A : memref<!tpu.dma_semaphore, #tpu.memory_space<semaphore_mem>>) {add = true}
        %dma_wait3A = arith.constant 0 : i32
        %dma_wait3A_40 = tpu.memref_slice %arg7[%dma_wait3A] : memref<100096xf32, #tpu.memory_space<vmem_shared>> -> memref<100096xf32, #tpu.memory_space<vmem_shared>>
        tpu.wait_indirect_dma semaphore(%run_scoped3A : memref<!tpu.dma_semaphore, #tpu.memory_space<semaphore_mem>>) src(%arg5 : memref<20000xf32, #tpu.memory_space<vmem>>) dst(%dma_wait3A_40 : memref<100096xf32, #tpu.memory_space<vmem_shared>>)
        tpu.yield
      }) : () -> ()
      %scan3A_38 = arith.constant 0 : i32
      scf.yield %scan3A_38 : i32
    }
    %scan3A_22 = arith.constant 10 : i32
    %barrier3A_23 = arith.constant 0 : index
    tpu.barrier barrier_id(%barrier3A_23)
    %mul3A_24 = arith.constant 6256 : i32
    %mul3A_25 = arith.muli %arg1, %mul3A_24 : i32
    "tpu.region"() ({
      %run_scoped3A = tpu.sem_alloc : memref<!tpu.dma_semaphore, #tpu.memory_space<semaphore_mem>>
      %dma_start3A = tpu.memref_slice %arg7[%mul3A_25] : memref<100096xf32, #tpu.memory_space<vmem_shared>> -> memref<6256xf32, #tpu.memory_space<vmem_shared>>
      %dma_start3A_31 = tpu.memref_slice %arg7[%mul3A_25] : memref<100096xf32, #tpu.memory_space<vmem_shared>> -> memref<6256xf32, #tpu.memory_space<vmem_shared>>
      tpu.enqueue_dma source(%dma_start3A_31 : memref<6256xf32, #tpu.memory_space<vmem_shared>>) target(%arg6 : memref<6256xf32, #tpu.memory_space<vmem>>) target_semaphore(%run_scoped3A : memref<!tpu.dma_semaphore, #tpu.memory_space<semaphore_mem>>)
      %dma_wait3A = tpu.memref_slice %arg7[%mul3A_25] : memref<100096xf32, #tpu.memory_space<vmem_shared>> -> memref<6256xf32, #tpu.memory_space<vmem_shared>>
      %dma_wait3A_32 = tpu.memref_slice %arg7[%mul3A_25] : memref<100096xf32, #tpu.memory_space<vmem_shared>> -> memref<6256xf32, #tpu.memory_space<vmem_shared>>
      tpu.wait_dma2 semaphore(%run_scoped3A : memref<!tpu.dma_semaphore, #tpu.memory_space<semaphore_mem>>) src(%dma_wait3A_32 : memref<6256xf32, #tpu.memory_space<vmem_shared>>) dst(%arg6 : memref<6256xf32, #tpu.memory_space<vmem>>)
      tpu.yield
    }) : () -> ()
    %mul3A_26 = arith.constant 100096 : i32
    %mul3A_27 = arith.muli %arg0, %mul3A_26 : i32
    %mul3A_28 = arith.constant 6256 : i32
    %mul3A_29 = arith.muli %arg1, %mul3A_28 : i32
    %add3A_30 = arith.addi %mul3A_27, %mul3A_29 : i32
    "tpu.region"() ({
      %run_scoped3A = tpu.sem_alloc : memref<!tpu.dma_semaphore, #tpu.memory_space<semaphore_mem>>
      %dma_start3A = tpu.memref_slice %arg3[%add3A_30] : memref<200192xf32, #tpu.memory_space<hbm>> -> memref<6256xf32, #tpu.memory_space<hbm>>
      %dma_start3A_31 = tpu.memref_slice %arg3[%add3A_30] : memref<200192xf32, #tpu.memory_space<hbm>> -> memref<6256xf32, #tpu.memory_space<hbm>>
      tpu.enqueue_dma source(%arg6 : memref<6256xf32, #tpu.memory_space<vmem>>) target(%dma_start3A_31 : memref<6256xf32, #tpu.memory_space<hbm>>) target_semaphore(%run_scoped3A : memref<!tpu.dma_semaphore, #tpu.memory_space<semaphore_mem>>)
      %dma_wait3A = tpu.memref_slice %arg3[%add3A_30] : memref<200192xf32, #tpu.memory_space<hbm>> -> memref<6256xf32, #tpu.memory_space<hbm>>
      %dma_wait3A_32 = tpu.memref_slice %arg3[%add3A_30] : memref<200192xf32, #tpu.memory_space<hbm>> -> memref<6256xf32, #tpu.memory_space<hbm>>
      tpu.wait_dma2 semaphore(%run_scoped3A : memref<!tpu.dma_semaphore, #tpu.memory_space<semaphore_mem>>) src(%arg6 : memref<6256xf32, #tpu.memory_space<vmem>>) dst(%dma_wait3A_32 : memref<6256xf32, #tpu.memory_space<hbm>>)
      tpu.yield
    }) : () -> ()
    return
  }
}

#map = affine_map<(d0, d1) -> (0)>
module attributes {stable_mosaic.version = 14 : i64} {
  func.func @_pass_body(%arg0: i32, %arg1: i32, %arg2: memref<6400000xi32, #tpu.memory_space<hbm>>, %arg3: memref<6400000xi32, #tpu.memory_space<hbm>>, %arg4: memref<100096xf32, #tpu.memory_space<hbm>>, %arg5: memref<200192xf32, #tpu.memory_space<hbm>>, %arg6: memref<100096xf32, #tpu.memory_space<vmem>>, %arg7: memref<8000xi32, #tpu.memory_space<vmem>>, %arg8: memref<8000xi32, #tpu.memory_space<vmem>>, %arg9: memref<8000xf32, #tpu.memory_space<vmem>>, %arg10: memref<100096xf32, #tpu.memory_space<vmem_shared>>) attributes {dimension_semantics = [#tpu.dimension_semantics<core_parallel>, #tpu.dimension_semantics<subcore_parallel>], iteration_bounds = array<i64: 2, 16>, scalar_prefetch = 0 : i64, scratch_operands = 5 : i64, tpu.core_type = #tpu.core_type<sc_vector_subcore>, window_params = [{transform_indices = #map}, {transform_indices = #map}, {transform_indices = #map}, {transform_indices = #map}]} {
    %mul3A = arith.constant 2 : i32
    %mul3A_0 = arith.muli %arg1, %mul3A : i32
    %add3A = arith.addi %mul3A_0, %arg0 : i32
    "tpu.region"() ({
      %run_scoped3A = tpu.sem_alloc : memref<!tpu.dma_semaphore, #tpu.memory_space<semaphore_mem>>
      tpu.enqueue_dma source(%arg4 : memref<100096xf32, #tpu.memory_space<hbm>>) target(%arg6 : memref<100096xf32, #tpu.memory_space<vmem>>) target_semaphore(%run_scoped3A : memref<!tpu.dma_semaphore, #tpu.memory_space<semaphore_mem>>)
      tpu.wait_dma2 semaphore(%run_scoped3A : memref<!tpu.dma_semaphore, #tpu.memory_space<semaphore_mem>>) src(%arg4 : memref<100096xf32, #tpu.memory_space<hbm>>) dst(%arg6 : memref<100096xf32, #tpu.memory_space<vmem>>)
      tpu.yield
    }) : () -> ()
    %scan3A = arith.constant 0 : i32
    %scan3A_1 = arith.constant 0 : i32
    %scan3A_2 = arith.constant 391 : i32
    %scan3A_3 = arith.addi %scan3A_1, %scan3A_2 : i32
    %scan3A_4 = arith.constant 1 : i32
    %scan3A_5 = scf.for %scan3A_24 = %scan3A_1 to %scan3A_3 step %scan3A_4 iter_args(%scan3A_25 = %scan3A) -> (i32)  : i32 {
      %broadcast_in_dim3A = arith.constant 0.000000e+00 : f32
      %broadcast_in_dim3A_26 = vector.broadcast %broadcast_in_dim3A : f32 to vector<16xf32>
      %mul3A_27 = arith.constant 16 : i32
      %mul3A_28 = arith.muli %scan3A_24, %mul3A_27 : i32
      %swap3A = arith.index_cast %mul3A_28 : i32 to index
      %swap3A_29 = tpu.vector_load %arg9[%swap3A] {strides = array<i32>} : memref<8000xf32, #tpu.memory_space<vmem>>, vector<16xf32>,
      tpu.vector_store %arg9[%swap3A], %broadcast_in_dim3A_26 {strides = array<i32>} : memref<8000xf32, #tpu.memory_space<vmem>>, vector<16xf32>,
      %scan3A_30 = arith.constant 0 : i32
      scf.yield %scan3A_30 : i32
    }
    %scan3A_6 = arith.constant 391 : i32
    %mul3A_7 = arith.constant 6256 : i32
    %mul3A_8 = arith.muli %arg1, %mul3A_7 : i32
    "tpu.region"() ({
      %run_scoped3A = tpu.sem_alloc : memref<!tpu.dma_semaphore, #tpu.memory_space<semaphore_mem>>
      %dma_start3A = arith.constant 0 : i32
      %dma_start3A_24 = tpu.memref_slice %arg9[%dma_start3A] : memref<8000xf32, #tpu.memory_space<vmem>> -> memref<6256xf32, #tpu.memory_space<vmem>>
      %dma_start3A_25 = tpu.memref_slice %arg10[%mul3A_8] : memref<100096xf32, #tpu.memory_space<vmem_shared>> -> memref<6256xf32, #tpu.memory_space<vmem_shared>>
      %dma_start3A_26 = tpu.memref_slice %arg10[%mul3A_8] : memref<100096xf32, #tpu.memory_space<vmem_shared>> -> memref<6256xf32, #tpu.memory_space<vmem_shared>>
      %dma_start3A_27 = arith.constant 0 : i32
      %dma_start3A_28 = tpu.memref_slice %arg9[%dma_start3A_27] : memref<8000xf32, #tpu.memory_space<vmem>> -> memref<6256xf32, #tpu.memory_space<vmem>>
      tpu.enqueue_dma source(%dma_start3A_28 : memref<6256xf32, #tpu.memory_space<vmem>>) target(%dma_start3A_26 : memref<6256xf32, #tpu.memory_space<vmem_shared>>) target_semaphore(%run_scoped3A : memref<!tpu.dma_semaphore, #tpu.memory_space<semaphore_mem>>)
      %dma_wait3A = arith.constant 0 : i32
      %dma_wait3A_29 = tpu.memref_slice %arg9[%dma_wait3A] : memref<8000xf32, #tpu.memory_space<vmem>> -> memref<6256xf32, #tpu.memory_space<vmem>>
      %dma_wait3A_30 = tpu.memref_slice %arg10[%mul3A_8] : memref<100096xf32, #tpu.memory_space<vmem_shared>> -> memref<6256xf32, #tpu.memory_space<vmem_shared>>
      %dma_wait3A_31 = tpu.memref_slice %arg10[%mul3A_8] : memref<100096xf32, #tpu.memory_space<vmem_shared>> -> memref<6256xf32, #tpu.memory_space<vmem_shared>>
      %dma_wait3A_32 = arith.constant 0 : i32
      %dma_wait3A_33 = tpu.memref_slice %arg9[%dma_wait3A_32] : memref<8000xf32, #tpu.memory_space<vmem>> -> memref<6256xf32, #tpu.memory_space<vmem>>
      tpu.wait_dma2 semaphore(%run_scoped3A : memref<!tpu.dma_semaphore, #tpu.memory_space<semaphore_mem>>) src(%dma_wait3A_33 : memref<6256xf32, #tpu.memory_space<vmem>>) dst(%dma_wait3A_31 : memref<6256xf32, #tpu.memory_space<vmem_shared>>)
      tpu.yield
    }) : () -> ()
    %barrier3A = arith.constant 0 : index
    tpu.barrier barrier_id(%barrier3A)
    %scan3A_9 = arith.constant 0 : i32
    %scan3A_10 = arith.constant 0 : i32
    %scan3A_11 = arith.constant 25 : i32
    %scan3A_12 = arith.addi %scan3A_10, %scan3A_11 : i32
    %scan3A_13 = arith.constant 1 : i32
    %scan3A_14 = scf.for %scan3A_24 = %scan3A_10 to %scan3A_12 step %scan3A_13 iter_args(%scan3A_25 = %scan3A_9) -> (i32)  : i32 {
      %mul3A_26 = arith.constant 200000 : i32
      %mul3A_27 = arith.muli %add3A, %mul3A_26 : i32
      %mul3A_28 = arith.constant 8000 : i32
      %mul3A_29 = arith.muli %scan3A_24, %mul3A_28 : i32
      %add3A_30 = arith.addi %mul3A_27, %mul3A_29 : i32
      "tpu.region"() ({
        %run_scoped3A = tpu.sem_alloc : memref<!tpu.dma_semaphore, #tpu.memory_space<semaphore_mem>>
        %dma_start3A = tpu.memref_slice %arg2[%add3A_30] : memref<6400000xi32, #tpu.memory_space<hbm>> -> memref<8000xi32, #tpu.memory_space<hbm>>
        %dma_start3A_39 = tpu.memref_slice %arg2[%add3A_30] : memref<6400000xi32, #tpu.memory_space<hbm>> -> memref<8000xi32, #tpu.memory_space<hbm>>
        tpu.enqueue_dma source(%dma_start3A_39 : memref<8000xi32, #tpu.memory_space<hbm>>) target(%arg7 : memref<8000xi32, #tpu.memory_space<vmem>>) target_semaphore(%run_scoped3A : memref<!tpu.dma_semaphore, #tpu.memory_space<semaphore_mem>>)
        %dma_wait3A = tpu.memref_slice %arg2[%add3A_30] : memref<6400000xi32, #tpu.memory_space<hbm>> -> memref<8000xi32, #tpu.memory_space<hbm>>
        %dma_wait3A_40 = tpu.memref_slice %arg2[%add3A_30] : memref<6400000xi32, #tpu.memory_space<hbm>> -> memref<8000xi32, #tpu.memory_space<hbm>>
        tpu.wait_dma2 semaphore(%run_scoped3A : memref<!tpu.dma_semaphore, #tpu.memory_space<semaphore_mem>>) src(%dma_wait3A_40 : memref<8000xi32, #tpu.memory_space<hbm>>) dst(%arg7 : memref<8000xi32, #tpu.memory_space<vmem>>)
        tpu.yield
      }) : () -> ()
      "tpu.region"() ({
        %run_scoped3A = tpu.sem_alloc : memref<!tpu.dma_semaphore, #tpu.memory_space<semaphore_mem>>
        %dma_start3A = tpu.memref_slice %arg3[%add3A_30] : memref<6400000xi32, #tpu.memory_space<hbm>> -> memref<8000xi32, #tpu.memory_space<hbm>>
        %dma_start3A_39 = tpu.memref_slice %arg3[%add3A_30] : memref<6400000xi32, #tpu.memory_space<hbm>> -> memref<8000xi32, #tpu.memory_space<hbm>>
        tpu.enqueue_dma source(%dma_start3A_39 : memref<8000xi32, #tpu.memory_space<hbm>>) target(%arg8 : memref<8000xi32, #tpu.memory_space<vmem>>) target_semaphore(%run_scoped3A : memref<!tpu.dma_semaphore, #tpu.memory_space<semaphore_mem>>)
        %dma_wait3A = tpu.memref_slice %arg3[%add3A_30] : memref<6400000xi32, #tpu.memory_space<hbm>> -> memref<8000xi32, #tpu.memory_space<hbm>>
        %dma_wait3A_40 = tpu.memref_slice %arg3[%add3A_30] : memref<6400000xi32, #tpu.memory_space<hbm>> -> memref<8000xi32, #tpu.memory_space<hbm>>
        tpu.wait_dma2 semaphore(%run_scoped3A : memref<!tpu.dma_semaphore, #tpu.memory_space<semaphore_mem>>) src(%dma_wait3A_40 : memref<8000xi32, #tpu.memory_space<hbm>>) dst(%arg8 : memref<8000xi32, #tpu.memory_space<vmem>>)
        tpu.yield
      }) : () -> ()
      %scan3A_31 = arith.constant 0 : i32
      %scan3A_32 = arith.constant 0 : i32
      %scan3A_33 = arith.constant 500 : i32
      %scan3A_34 = arith.addi %scan3A_32, %scan3A_33 : i32
      %scan3A_35 = arith.constant 1 : i32
      %scan3A_36 = scf.for %scan3A_39 = %scan3A_32 to %scan3A_34 step %scan3A_35 iter_args(%scan3A_40 = %scan3A_31) -> (i32)  : i32 {
        %mul3A_41 = arith.constant 16 : i32
        %mul3A_42 = arith.muli %scan3A_39, %mul3A_41 : i32
        %get3A = arith.index_cast %mul3A_42 : i32 to index
        %get3A_43 = tpu.vector_load %arg7[%get3A] {strides = array<i32>} : memref<8000xi32, #tpu.memory_space<vmem>>, vector<16xi32>,
        %gather3A = tpu.vector_load_idx %arg6[%get3A_43] : memref<100096xf32, #tpu.memory_space<vmem>>[vector<16xi32>], vector<16xf32>,
        %mul3A_44 = arith.constant 16 : i32
        %mul3A_45 = arith.muli %scan3A_39, %mul3A_44 : i32
        %swap3A = arith.index_cast %mul3A_45 : i32 to index
        %swap3A_46 = tpu.vector_load %arg9[%swap3A] {strides = array<i32>} : memref<8000xf32, #tpu.memory_space<vmem>>, vector<16xf32>,
        tpu.vector_store %arg9[%swap3A], %gather3A {strides = array<i32>} : memref<8000xf32, #tpu.memory_space<vmem>>, vector<16xf32>,
        %scan3A_47 = arith.constant 0 : i32
        scf.yield %scan3A_47 : i32
      }
      %scan3A_37 = arith.constant 500 : i32
      "tpu.region"() ({
        %run_scoped3A = tpu.sem_alloc : memref<!tpu.dma_semaphore, #tpu.memory_space<semaphore_mem>>
        %dma_start3A = arith.constant 0 : i32
        %dma_start3A_39 = tpu.memref_slice %arg10[%dma_start3A] : memref<100096xf32, #tpu.memory_space<vmem_shared>> -> memref<100096xf32, #tpu.memory_space<vmem_shared>>
        tpu.enqueue_indirect_dma source(%arg9 : memref<8000xf32, #tpu.memory_space<vmem>>) target(%dma_start3A_39 : memref<100096xf32, #tpu.memory_space<vmem_shared>>) offsets(%arg8 : memref<8000xi32, #tpu.memory_space<vmem>>) semaphore(%run_scoped3A : memref<!tpu.dma_semaphore, #tpu.memory_space<semaphore_mem>>) {add = true}
        %dma_wait3A = arith.constant 0 : i32
        %dma_wait3A_40 = tpu.memref_slice %arg10[%dma_wait3A] : memref<100096xf32, #tpu.memory_space<vmem_shared>> -> memref<100096xf32, #tpu.memory_space<vmem_shared>>
        tpu.wait_indirect_dma semaphore(%run_scoped3A : memref<!tpu.dma_semaphore, #tpu.memory_space<semaphore_mem>>) src(%arg9 : memref<8000xf32, #tpu.memory_space<vmem>>) dst(%dma_wait3A_40 : memref<100096xf32, #tpu.memory_space<vmem_shared>>)
        tpu.yield
      }) : () -> ()
      %scan3A_38 = arith.constant 0 : i32
      scf.yield %scan3A_38 : i32
    }
    %scan3A_15 = arith.constant 25 : i32
    %barrier3A_16 = arith.constant 0 : index
    tpu.barrier barrier_id(%barrier3A_16)
    %mul3A_17 = arith.constant 6256 : i32
    %mul3A_18 = arith.muli %arg1, %mul3A_17 : i32
    "tpu.region"() ({
      %run_scoped3A = tpu.sem_alloc : memref<!tpu.dma_semaphore, #tpu.memory_space<semaphore_mem>>
      %dma_start3A = arith.constant 0 : i32
      %dma_start3A_24 = tpu.memref_slice %arg9[%dma_start3A] : memref<8000xf32, #tpu.memory_space<vmem>> -> memref<6256xf32, #tpu.memory_space<vmem>>
      %dma_start3A_25 = tpu.memref_slice %arg10[%mul3A_18] : memref<100096xf32, #tpu.memory_space<vmem_shared>> -> memref<6256xf32, #tpu.memory_space<vmem_shared>>
      %dma_start3A_26 = arith.constant 0 : i32
      %dma_start3A_27 = tpu.memref_slice %arg9[%dma_start3A_26] : memref<8000xf32, #tpu.memory_space<vmem>> -> memref<6256xf32, #tpu.memory_space<vmem>>
      %dma_start3A_28 = tpu.memref_slice %arg10[%mul3A_18] : memref<100096xf32, #tpu.memory_space<vmem_shared>> -> memref<6256xf32, #tpu.memory_space<vmem_shared>>
      tpu.enqueue_dma source(%dma_start3A_28 : memref<6256xf32, #tpu.memory_space<vmem_shared>>) target(%dma_start3A_27 : memref<6256xf32, #tpu.memory_space<vmem>>) target_semaphore(%run_scoped3A : memref<!tpu.dma_semaphore, #tpu.memory_space<semaphore_mem>>)
      %dma_wait3A = arith.constant 0 : i32
      %dma_wait3A_29 = tpu.memref_slice %arg9[%dma_wait3A] : memref<8000xf32, #tpu.memory_space<vmem>> -> memref<6256xf32, #tpu.memory_space<vmem>>
      %dma_wait3A_30 = tpu.memref_slice %arg10[%mul3A_18] : memref<100096xf32, #tpu.memory_space<vmem_shared>> -> memref<6256xf32, #tpu.memory_space<vmem_shared>>
      %dma_wait3A_31 = arith.constant 0 : i32
      %dma_wait3A_32 = tpu.memref_slice %arg9[%dma_wait3A_31] : memref<8000xf32, #tpu.memory_space<vmem>> -> memref<6256xf32, #tpu.memory_space<vmem>>
      %dma_wait3A_33 = tpu.memref_slice %arg10[%mul3A_18] : memref<100096xf32, #tpu.memory_space<vmem_shared>> -> memref<6256xf32, #tpu.memory_space<vmem_shared>>
      tpu.wait_dma2 semaphore(%run_scoped3A : memref<!tpu.dma_semaphore, #tpu.memory_space<semaphore_mem>>) src(%dma_wait3A_33 : memref<6256xf32, #tpu.memory_space<vmem_shared>>) dst(%dma_wait3A_32 : memref<6256xf32, #tpu.memory_space<vmem>>)
      tpu.yield
    }) : () -> ()
    %mul3A_19 = arith.constant 100096 : i32
    %mul3A_20 = arith.muli %arg0, %mul3A_19 : i32
    %mul3A_21 = arith.constant 6256 : i32
    %mul3A_22 = arith.muli %arg1, %mul3A_21 : i32
    %add3A_23 = arith.addi %mul3A_20, %mul3A_22 : i32
    "tpu.region"() ({
      %run_scoped3A = tpu.sem_alloc : memref<!tpu.dma_semaphore, #tpu.memory_space<semaphore_mem>>
      %dma_start3A = arith.constant 0 : i32
      %dma_start3A_24 = tpu.memref_slice %arg9[%dma_start3A] : memref<8000xf32, #tpu.memory_space<vmem>> -> memref<6256xf32, #tpu.memory_space<vmem>>
      %dma_start3A_25 = tpu.memref_slice %arg5[%add3A_23] : memref<200192xf32, #tpu.memory_space<hbm>> -> memref<6256xf32, #tpu.memory_space<hbm>>
      %dma_start3A_26 = tpu.memref_slice %arg5[%add3A_23] : memref<200192xf32, #tpu.memory_space<hbm>> -> memref<6256xf32, #tpu.memory_space<hbm>>
      %dma_start3A_27 = arith.constant 0 : i32
      %dma_start3A_28 = tpu.memref_slice %arg9[%dma_start3A_27] : memref<8000xf32, #tpu.memory_space<vmem>> -> memref<6256xf32, #tpu.memory_space<vmem>>
      tpu.enqueue_dma source(%dma_start3A_28 : memref<6256xf32, #tpu.memory_space<vmem>>) target(%dma_start3A_26 : memref<6256xf32, #tpu.memory_space<hbm>>) target_semaphore(%run_scoped3A : memref<!tpu.dma_semaphore, #tpu.memory_space<semaphore_mem>>)
      %dma_wait3A = arith.constant 0 : i32
      %dma_wait3A_29 = tpu.memref_slice %arg9[%dma_wait3A] : memref<8000xf32, #tpu.memory_space<vmem>> -> memref<6256xf32, #tpu.memory_space<vmem>>
      %dma_wait3A_30 = tpu.memref_slice %arg5[%add3A_23] : memref<200192xf32, #tpu.memory_space<hbm>> -> memref<6256xf32, #tpu.memory_space<hbm>>
      %dma_wait3A_31 = tpu.memref_slice %arg5[%add3A_23] : memref<200192xf32, #tpu.memory_space<hbm>> -> memref<6256xf32, #tpu.memory_space<hbm>>
      %dma_wait3A_32 = arith.constant 0 : i32
      %dma_wait3A_33 = tpu.memref_slice %arg9[%dma_wait3A_32] : memref<8000xf32, #tpu.memory_space<vmem>> -> memref<6256xf32, #tpu.memory_space<vmem>>
      tpu.wait_dma2 semaphore(%run_scoped3A : memref<!tpu.dma_semaphore, #tpu.memory_space<semaphore_mem>>) src(%dma_wait3A_33 : memref<6256xf32, #tpu.memory_space<vmem>>) dst(%dma_wait3A_31 : memref<6256xf32, #tpu.memory_space<hbm>>)
      tpu.yield
    }) : () -> ()
    return
  }
}

#map = affine_map<(d0, d1) -> (0)>
module attributes {stable_mosaic.version = 14 : i64} {
  func.func @_pass_body(%arg0: i32, %arg1: i32, %arg2: memref<6400000xi32, #tpu.memory_space<hbm>>, %arg3: memref<6400000xi32, #tpu.memory_space<hbm>>, %arg4: memref<100096xf32, #tpu.memory_space<hbm>>, %arg5: memref<200192xf32, #tpu.memory_space<hbm>>, %arg6: memref<100096xf32, #tpu.memory_space<vmem>>, %arg7: memref<8000xi32, #tpu.memory_space<vmem>>, %arg8: memref<8000xi32, #tpu.memory_space<vmem>>, %arg9: memref<8000xf32, #tpu.memory_space<vmem>>, %arg10: memref<100096xf32, #tpu.memory_space<vmem_shared>>) attributes {dimension_semantics = [#tpu.dimension_semantics<core_parallel>, #tpu.dimension_semantics<subcore_parallel>], iteration_bounds = array<i64: 2, 16>, scalar_prefetch = 0 : i64, scratch_operands = 5 : i64, tpu.core_type = #tpu.core_type<sc_vector_subcore>, window_params = [{transform_indices = #map}, {transform_indices = #map}, {transform_indices = #map}, {transform_indices = #map}]} {
    %mul3A = arith.constant 2 : i32
    %mul3A_0 = arith.muli %arg1, %mul3A : i32
    %add3A = arith.addi %mul3A_0, %arg0 : i32
    "tpu.region"() ({
      %run_scoped3A = tpu.sem_alloc : memref<!tpu.dma_semaphore, #tpu.memory_space<semaphore_mem>>
      tpu.enqueue_dma source(%arg4 : memref<100096xf32, #tpu.memory_space<hbm>>) target(%arg6 : memref<100096xf32, #tpu.memory_space<vmem>>) target_semaphore(%run_scoped3A : memref<!tpu.dma_semaphore, #tpu.memory_space<semaphore_mem>>)
      tpu.wait_dma2 semaphore(%run_scoped3A : memref<!tpu.dma_semaphore, #tpu.memory_space<semaphore_mem>>) src(%arg4 : memref<100096xf32, #tpu.memory_space<hbm>>) dst(%arg6 : memref<100096xf32, #tpu.memory_space<vmem>>)
      tpu.yield
    }) : () -> ()
    %scan3A = arith.constant 0 : i32
    %scan3A_1 = arith.constant 0 : i32
    %scan3A_2 = arith.constant 391 : i32
    %scan3A_3 = arith.addi %scan3A_1, %scan3A_2 : i32
    %scan3A_4 = arith.constant 1 : i32
    %scan3A_5 = scf.for %scan3A_24 = %scan3A_1 to %scan3A_3 step %scan3A_4 iter_args(%scan3A_25 = %scan3A) -> (i32)  : i32 {
      %broadcast_in_dim3A = arith.constant 0.000000e+00 : f32
      %broadcast_in_dim3A_26 = vector.broadcast %broadcast_in_dim3A : f32 to vector<16xf32>
      %mul3A_27 = arith.constant 16 : i32
      %mul3A_28 = arith.muli %scan3A_24, %mul3A_27 : i32
      %swap3A = arith.index_cast %mul3A_28 : i32 to index
      %swap3A_29 = tpu.vector_load %arg9[%swap3A] {strides = array<i32>} : memref<8000xf32, #tpu.memory_space<vmem>>, vector<16xf32>,
      tpu.vector_store %arg9[%swap3A], %broadcast_in_dim3A_26 {strides = array<i32>} : memref<8000xf32, #tpu.memory_space<vmem>>, vector<16xf32>,
      %scan3A_30 = arith.constant 0 : i32
      scf.yield %scan3A_30 : i32
    }
    %scan3A_6 = arith.constant 391 : i32
    %mul3A_7 = arith.constant 6256 : i32
    %mul3A_8 = arith.muli %arg1, %mul3A_7 : i32
    "tpu.region"() ({
      %run_scoped3A = tpu.sem_alloc : memref<!tpu.dma_semaphore, #tpu.memory_space<semaphore_mem>>
      %dma_start3A = arith.constant 0 : i32
      %dma_start3A_24 = tpu.memref_slice %arg9[%dma_start3A] : memref<8000xf32, #tpu.memory_space<vmem>> -> memref<6256xf32, #tpu.memory_space<vmem>>
      %dma_start3A_25 = tpu.memref_slice %arg10[%mul3A_8] : memref<100096xf32, #tpu.memory_space<vmem_shared>> -> memref<6256xf32, #tpu.memory_space<vmem_shared>>
      %dma_start3A_26 = tpu.memref_slice %arg10[%mul3A_8] : memref<100096xf32, #tpu.memory_space<vmem_shared>> -> memref<6256xf32, #tpu.memory_space<vmem_shared>>
      %dma_start3A_27 = arith.constant 0 : i32
      %dma_start3A_28 = tpu.memref_slice %arg9[%dma_start3A_27] : memref<8000xf32, #tpu.memory_space<vmem>> -> memref<6256xf32, #tpu.memory_space<vmem>>
      tpu.enqueue_dma source(%dma_start3A_28 : memref<6256xf32, #tpu.memory_space<vmem>>) target(%dma_start3A_26 : memref<6256xf32, #tpu.memory_space<vmem_shared>>) target_semaphore(%run_scoped3A : memref<!tpu.dma_semaphore, #tpu.memory_space<semaphore_mem>>)
      %dma_wait3A = arith.constant 0 : i32
      %dma_wait3A_29 = tpu.memref_slice %arg9[%dma_wait3A] : memref<8000xf32, #tpu.memory_space<vmem>> -> memref<6256xf32, #tpu.memory_space<vmem>>
      %dma_wait3A_30 = tpu.memref_slice %arg10[%mul3A_8] : memref<100096xf32, #tpu.memory_space<vmem_shared>> -> memref<6256xf32, #tpu.memory_space<vmem_shared>>
      %dma_wait3A_31 = tpu.memref_slice %arg10[%mul3A_8] : memref<100096xf32, #tpu.memory_space<vmem_shared>> -> memref<6256xf32, #tpu.memory_space<vmem_shared>>
      %dma_wait3A_32 = arith.constant 0 : i32
      %dma_wait3A_33 = tpu.memref_slice %arg9[%dma_wait3A_32] : memref<8000xf32, #tpu.memory_space<vmem>> -> memref<6256xf32, #tpu.memory_space<vmem>>
      tpu.wait_dma2 semaphore(%run_scoped3A : memref<!tpu.dma_semaphore, #tpu.memory_space<semaphore_mem>>) src(%dma_wait3A_33 : memref<6256xf32, #tpu.memory_space<vmem>>) dst(%dma_wait3A_31 : memref<6256xf32, #tpu.memory_space<vmem_shared>>)
      tpu.yield
    }) : () -> ()
    %barrier3A = arith.constant 0 : index
    tpu.barrier barrier_id(%barrier3A)
    %scan3A_9 = arith.constant 0 : i32
    %scan3A_10 = arith.constant 0 : i32
    %scan3A_11 = arith.constant 25 : i32
    %scan3A_12 = arith.addi %scan3A_10, %scan3A_11 : i32
    %scan3A_13 = arith.constant 1 : i32
    %scan3A_14 = scf.for %scan3A_24 = %scan3A_10 to %scan3A_12 step %scan3A_13 iter_args(%scan3A_25 = %scan3A_9) -> (i32)  : i32 {
      %mul3A_26 = arith.constant 200000 : i32
      %mul3A_27 = arith.muli %add3A, %mul3A_26 : i32
      %mul3A_28 = arith.constant 8000 : i32
      %mul3A_29 = arith.muli %scan3A_24, %mul3A_28 : i32
      %add3A_30 = arith.addi %mul3A_27, %mul3A_29 : i32
      "tpu.region"() ({
        %run_scoped3A = tpu.sem_alloc : memref<!tpu.dma_semaphore, #tpu.memory_space<semaphore_mem>>
        %dma_start3A = tpu.memref_slice %arg2[%add3A_30] : memref<6400000xi32, #tpu.memory_space<hbm>> -> memref<8000xi32, #tpu.memory_space<hbm>>
        %dma_start3A_39 = tpu.memref_slice %arg2[%add3A_30] : memref<6400000xi32, #tpu.memory_space<hbm>> -> memref<8000xi32, #tpu.memory_space<hbm>>
        tpu.enqueue_dma source(%dma_start3A_39 : memref<8000xi32, #tpu.memory_space<hbm>>) target(%arg7 : memref<8000xi32, #tpu.memory_space<vmem>>) target_semaphore(%run_scoped3A : memref<!tpu.dma_semaphore, #tpu.memory_space<semaphore_mem>>)
        %dma_wait3A = tpu.memref_slice %arg2[%add3A_30] : memref<6400000xi32, #tpu.memory_space<hbm>> -> memref<8000xi32, #tpu.memory_space<hbm>>
        %dma_wait3A_40 = tpu.memref_slice %arg2[%add3A_30] : memref<6400000xi32, #tpu.memory_space<hbm>> -> memref<8000xi32, #tpu.memory_space<hbm>>
        tpu.wait_dma2 semaphore(%run_scoped3A : memref<!tpu.dma_semaphore, #tpu.memory_space<semaphore_mem>>) src(%dma_wait3A_40 : memref<8000xi32, #tpu.memory_space<hbm>>) dst(%arg7 : memref<8000xi32, #tpu.memory_space<vmem>>)
        tpu.yield
      }) : () -> ()
      "tpu.region"() ({
        %run_scoped3A = tpu.sem_alloc : memref<!tpu.dma_semaphore, #tpu.memory_space<semaphore_mem>>
        %dma_start3A = tpu.memref_slice %arg3[%add3A_30] : memref<6400000xi32, #tpu.memory_space<hbm>> -> memref<8000xi32, #tpu.memory_space<hbm>>
        %dma_start3A_39 = tpu.memref_slice %arg3[%add3A_30] : memref<6400000xi32, #tpu.memory_space<hbm>> -> memref<8000xi32, #tpu.memory_space<hbm>>
        tpu.enqueue_dma source(%dma_start3A_39 : memref<8000xi32, #tpu.memory_space<hbm>>) target(%arg8 : memref<8000xi32, #tpu.memory_space<vmem>>) target_semaphore(%run_scoped3A : memref<!tpu.dma_semaphore, #tpu.memory_space<semaphore_mem>>)
        %dma_wait3A = tpu.memref_slice %arg3[%add3A_30] : memref<6400000xi32, #tpu.memory_space<hbm>> -> memref<8000xi32, #tpu.memory_space<hbm>>
        %dma_wait3A_40 = tpu.memref_slice %arg3[%add3A_30] : memref<6400000xi32, #tpu.memory_space<hbm>> -> memref<8000xi32, #tpu.memory_space<hbm>>
        tpu.wait_dma2 semaphore(%run_scoped3A : memref<!tpu.dma_semaphore, #tpu.memory_space<semaphore_mem>>) src(%dma_wait3A_40 : memref<8000xi32, #tpu.memory_space<hbm>>) dst(%arg8 : memref<8000xi32, #tpu.memory_space<vmem>>)
        tpu.yield
      }) : () -> ()
      %scan3A_31 = arith.constant 0 : i32
      %scan3A_32 = arith.constant 0 : i32
      %scan3A_33 = arith.constant 500 : i32
      %scan3A_34 = arith.addi %scan3A_32, %scan3A_33 : i32
      %scan3A_35 = arith.constant 1 : i32
      %scan3A_36 = scf.for %scan3A_39 = %scan3A_32 to %scan3A_34 step %scan3A_35 iter_args(%scan3A_40 = %scan3A_31) -> (i32)  : i32 {
        %mul3A_41 = arith.constant 16 : i32
        %mul3A_42 = arith.muli %scan3A_39, %mul3A_41 : i32
        %get3A = arith.index_cast %mul3A_42 : i32 to index
        %get3A_43 = tpu.vector_load %arg7[%get3A] {strides = array<i32>} : memref<8000xi32, #tpu.memory_space<vmem>>, vector<16xi32>,
        %gather3A = tpu.vector_load_idx %arg6[%get3A_43] : memref<100096xf32, #tpu.memory_space<vmem>>[vector<16xi32>], vector<16xf32>,
        %mul3A_44 = arith.constant 16 : i32
        %mul3A_45 = arith.muli %scan3A_39, %mul3A_44 : i32
        %swap3A = arith.index_cast %mul3A_45 : i32 to index
        %swap3A_46 = tpu.vector_load %arg9[%swap3A] {strides = array<i32>} : memref<8000xf32, #tpu.memory_space<vmem>>, vector<16xf32>,
        tpu.vector_store %arg9[%swap3A], %gather3A {strides = array<i32>} : memref<8000xf32, #tpu.memory_space<vmem>>, vector<16xf32>,
        %scan3A_47 = arith.constant 0 : i32
        scf.yield %scan3A_47 : i32
      }
      %scan3A_37 = arith.constant 500 : i32
      "tpu.region"() ({
        %run_scoped3A = tpu.sem_alloc : memref<!tpu.dma_semaphore, #tpu.memory_space<semaphore_mem>>
        %dma_start3A = arith.constant 0 : i32
        %dma_start3A_39 = tpu.memref_slice %arg10[%dma_start3A] : memref<100096xf32, #tpu.memory_space<vmem_shared>> -> memref<100096xf32, #tpu.memory_space<vmem_shared>>
        tpu.enqueue_indirect_dma source(%arg9 : memref<8000xf32, #tpu.memory_space<vmem>>) target(%dma_start3A_39 : memref<100096xf32, #tpu.memory_space<vmem_shared>>) offsets(%arg8 : memref<8000xi32, #tpu.memory_space<vmem>>) semaphore(%run_scoped3A : memref<!tpu.dma_semaphore, #tpu.memory_space<semaphore_mem>>) {add = true}
        %dma_wait3A = arith.constant 0 : i32
        %dma_wait3A_40 = tpu.memref_slice %arg10[%dma_wait3A] : memref<100096xf32, #tpu.memory_space<vmem_shared>> -> memref<100096xf32, #tpu.memory_space<vmem_shared>>
        tpu.wait_indirect_dma semaphore(%run_scoped3A : memref<!tpu.dma_semaphore, #tpu.memory_space<semaphore_mem>>) src(%arg9 : memref<8000xf32, #tpu.memory_space<vmem>>) dst(%dma_wait3A_40 : memref<100096xf32, #tpu.memory_space<vmem_shared>>)
        tpu.yield
      }) : () -> ()
      %scan3A_38 = arith.constant 0 : i32
      scf.yield %scan3A_38 : i32
    }
    %scan3A_15 = arith.constant 25 : i32
    %barrier3A_16 = arith.constant 0 : index
    tpu.barrier barrier_id(%barrier3A_16)
    %mul3A_17 = arith.constant 6256 : i32
    %mul3A_18 = arith.muli %arg1, %mul3A_17 : i32
    "tpu.region"() ({
      %run_scoped3A = tpu.sem_alloc : memref<!tpu.dma_semaphore, #tpu.memory_space<semaphore_mem>>
      %dma_start3A = arith.constant 0 : i32
      %dma_start3A_24 = tpu.memref_slice %arg9[%dma_start3A] : memref<8000xf32, #tpu.memory_space<vmem>> -> memref<6256xf32, #tpu.memory_space<vmem>>
      %dma_start3A_25 = tpu.memref_slice %arg10[%mul3A_18] : memref<100096xf32, #tpu.memory_space<vmem_shared>> -> memref<6256xf32, #tpu.memory_space<vmem_shared>>
      %dma_start3A_26 = arith.constant 0 : i32
      %dma_start3A_27 = tpu.memref_slice %arg9[%dma_start3A_26] : memref<8000xf32, #tpu.memory_space<vmem>> -> memref<6256xf32, #tpu.memory_space<vmem>>
      %dma_start3A_28 = tpu.memref_slice %arg10[%mul3A_18] : memref<100096xf32, #tpu.memory_space<vmem_shared>> -> memref<6256xf32, #tpu.memory_space<vmem_shared>>
      tpu.enqueue_dma source(%dma_start3A_28 : memref<6256xf32, #tpu.memory_space<vmem_shared>>) target(%dma_start3A_27 : memref<6256xf32, #tpu.memory_space<vmem>>) target_semaphore(%run_scoped3A : memref<!tpu.dma_semaphore, #tpu.memory_space<semaphore_mem>>)
      %dma_wait3A = arith.constant 0 : i32
      %dma_wait3A_29 = tpu.memref_slice %arg9[%dma_wait3A] : memref<8000xf32, #tpu.memory_space<vmem>> -> memref<6256xf32, #tpu.memory_space<vmem>>
      %dma_wait3A_30 = tpu.memref_slice %arg10[%mul3A_18] : memref<100096xf32, #tpu.memory_space<vmem_shared>> -> memref<6256xf32, #tpu.memory_space<vmem_shared>>
      %dma_wait3A_31 = arith.constant 0 : i32
      %dma_wait3A_32 = tpu.memref_slice %arg9[%dma_wait3A_31] : memref<8000xf32, #tpu.memory_space<vmem>> -> memref<6256xf32, #tpu.memory_space<vmem>>
      %dma_wait3A_33 = tpu.memref_slice %arg10[%mul3A_18] : memref<100096xf32, #tpu.memory_space<vmem_shared>> -> memref<6256xf32, #tpu.memory_space<vmem_shared>>
      tpu.wait_dma2 semaphore(%run_scoped3A : memref<!tpu.dma_semaphore, #tpu.memory_space<semaphore_mem>>) src(%dma_wait3A_33 : memref<6256xf32, #tpu.memory_space<vmem_shared>>) dst(%dma_wait3A_32 : memref<6256xf32, #tpu.memory_space<vmem>>)
      tpu.yield
    }) : () -> ()
    %mul3A_19 = arith.constant 100096 : i32
    %mul3A_20 = arith.muli %arg0, %mul3A_19 : i32
    %mul3A_21 = arith.constant 6256 : i32
    %mul3A_22 = arith.muli %arg1, %mul3A_21 : i32
    %add3A_23 = arith.addi %mul3A_20, %mul3A_22 : i32
    "tpu.region"() ({
      %run_scoped3A = tpu.sem_alloc : memref<!tpu.dma_semaphore, #tpu.memory_space<semaphore_mem>>
      %dma_start3A = arith.constant 0 : i32
      %dma_start3A_24 = tpu.memref_slice %arg9[%dma_start3A] : memref<8000xf32, #tpu.memory_space<vmem>> -> memref<6256xf32, #tpu.memory_space<vmem>>
      %dma_start3A_25 = tpu.memref_slice %arg5[%add3A_23] : memref<200192xf32, #tpu.memory_space<hbm>> -> memref<6256xf32, #tpu.memory_space<hbm>>
      %dma_start3A_26 = tpu.memref_slice %arg5[%add3A_23] : memref<200192xf32, #tpu.memory_space<hbm>> -> memref<6256xf32, #tpu.memory_space<hbm>>
      %dma_start3A_27 = arith.constant 0 : i32
      %dma_start3A_28 = tpu.memref_slice %arg9[%dma_start3A_27] : memref<8000xf32, #tpu.memory_space<vmem>> -> memref<6256xf32, #tpu.memory_space<vmem>>
      tpu.enqueue_dma source(%dma_start3A_28 : memref<6256xf32, #tpu.memory_space<vmem>>) target(%dma_start3A_26 : memref<6256xf32, #tpu.memory_space<hbm>>) target_semaphore(%run_scoped3A : memref<!tpu.dma_semaphore, #tpu.memory_space<semaphore_mem>>)
      %dma_wait3A = arith.constant 0 : i32
      %dma_wait3A_29 = tpu.memref_slice %arg9[%dma_wait3A] : memref<8000xf32, #tpu.memory_space<vmem>> -> memref<6256xf32, #tpu.memory_space<vmem>>
      %dma_wait3A_30 = tpu.memref_slice %arg5[%add3A_23] : memref<200192xf32, #tpu.memory_space<hbm>> -> memref<6256xf32, #tpu.memory_space<hbm>>
      %dma_wait3A_31 = tpu.memref_slice %arg5[%add3A_23] : memref<200192xf32, #tpu.memory_space<hbm>> -> memref<6256xf32, #tpu.memory_space<hbm>>
      %dma_wait3A_32 = arith.constant 0 : i32
      %dma_wait3A_33 = tpu.memref_slice %arg9[%dma_wait3A_32] : memref<8000xf32, #tpu.memory_space<vmem>> -> memref<6256xf32, #tpu.memory_space<vmem>>
      tpu.wait_dma2 semaphore(%run_scoped3A : memref<!tpu.dma_semaphore, #tpu.memory_space<semaphore_mem>>) src(%dma_wait3A_33 : memref<6256xf32, #tpu.memory_space<vmem>>) dst(%dma_wait3A_31 : memref<6256xf32, #tpu.memory_space<hbm>>)
      tpu.yield
    }) : () -> ()
    return
  }
}

module attributes {stable_mosaic.version = 14 : i64} {
  func.func @_ew1_body(%arg0: memref<2x782x128xf32, #tpu.memory_space<vmem>>, %arg1: memref<782x128xf32, #tpu.memory_space<vmem>>, %arg2: memref<782x128xf32, #tpu.memory_space<vmem>>, %arg3: memref<782x128xf32, #tpu.memory_space<vmem>>) attributes {dimension_semantics = [], scalar_prefetch = 0 : i64, scratch_operands = 0 : i64, tpu.core_type = #tpu.core_type<tc>} {
    %get3A = arith.constant 0 : index
    %get3A_0 = arith.constant 0 : index
    %get3A_1 = arith.constant 0 : index
    %get3A_2 = vector.load %arg0[%get3A, %get3A_0, %get3A_1] : memref<2x782x128xf32, #tpu.memory_space<vmem>>, vector<1x782x128xf32>
    %get3A_3 = vector.shape_cast %get3A_2 : vector<1x782x128xf32> to vector<782x128xf32>
    %get3A_4 = arith.constant 1 : index
    %get3A_5 = arith.constant 0 : index
    %get3A_6 = arith.constant 0 : index
    %get3A_7 = vector.load %arg0[%get3A_4, %get3A_5, %get3A_6] : memref<2x782x128xf32, #tpu.memory_space<vmem>>, vector<1x782x128xf32>
    %get3A_8 = vector.shape_cast %get3A_7 : vector<1x782x128xf32> to vector<782x128xf32>
    %add3A = arith.addf %get3A_3, %get3A_8 : vector<782x128xf32>
    %add3A_9 = arith.constant 1.000000e+00 : f32
    %add3A_10 = vector.broadcast %add3A_9 : f32 to vector<782x128xf32>
    %add3A_11 = arith.addf %add3A, %add3A_10 : vector<782x128xf32>
    %rsqrt3A = math.rsqrt %add3A_11 : vector<782x128xf32>
    %swap3A = arith.constant 0 : index
    %swap3A_12 = arith.constant 0 : index
    %swap3A_13 = vector.load %arg3[%swap3A, %swap3A_12] : memref<782x128xf32, #tpu.memory_space<vmem>>, vector<782x128xf32>
    tpu.vector_store %arg3[%swap3A, %swap3A_12], %rsqrt3A {strides = array<i32>} : memref<782x128xf32, #tpu.memory_space<vmem>>, vector<782x128xf32>,
    %get3A_14 = arith.constant 0 : index
    %get3A_15 = arith.constant 0 : index
    %get3A_16 = vector.load %arg1[%get3A_14, %get3A_15] : memref<782x128xf32, #tpu.memory_space<vmem>>, vector<782x128xf32>
    %mul3A = arith.mulf %get3A_16, %rsqrt3A : vector<782x128xf32>
    %swap3A_17 = arith.constant 0 : index
    %swap3A_18 = arith.constant 0 : index
    %swap3A_19 = vector.load %arg2[%swap3A_17, %swap3A_18] : memref<782x128xf32, #tpu.memory_space<vmem>>, vector<782x128xf32>
    tpu.vector_store %arg2[%swap3A_17, %swap3A_18], %mul3A {strides = array<i32>} : memref<782x128xf32, #tpu.memory_space<vmem>>, vector<782x128xf32>,
    return
  }
}

module attributes {stable_mosaic.version = 14 : i64} {
  func.func @_ew2_body(%arg0: memref<3x10xf32, #tpu.memory_space<smem>>, %arg1: memref<2x782x128xf32, #tpu.memory_space<vmem>>, %arg2: memref<782x128xf32, #tpu.memory_space<vmem>>, %arg3: memref<782x128xf32, #tpu.memory_space<vmem>>, %arg4: memref<782x128xf32, #tpu.memory_space<vmem>>) attributes {dimension_semantics = [], scalar_prefetch = 0 : i64, scratch_operands = 0 : i64, tpu.core_type = #tpu.core_type<tc>} {
    %get3A = arith.constant 0 : index
    %get3A_0 = arith.constant 0 : index
    %get3A_1 = vector.load %arg3[%get3A, %get3A_0] : memref<782x128xf32, #tpu.memory_space<vmem>>, vector<782x128xf32>
    %get3A_2 = arith.constant 0 : index
    %get3A_3 = arith.constant 0 : index
    %get3A_4 = arith.constant 0 : index
    %get3A_5 = vector.load %arg1[%get3A_2, %get3A_3, %get3A_4] : memref<2x782x128xf32, #tpu.memory_space<vmem>>, vector<1x782x128xf32>
    %get3A_6 = vector.shape_cast %get3A_5 : vector<1x782x128xf32> to vector<782x128xf32>
    %get3A_7 = arith.constant 1 : index
    %get3A_8 = arith.constant 0 : index
    %get3A_9 = arith.constant 0 : index
    %get3A_10 = vector.load %arg1[%get3A_7, %get3A_8, %get3A_9] : memref<2x782x128xf32, #tpu.memory_space<vmem>>, vector<1x782x128xf32>
    %get3A_11 = vector.shape_cast %get3A_10 : vector<1x782x128xf32> to vector<782x128xf32>
    %add3A = arith.addf %get3A_6, %get3A_11 : vector<782x128xf32>
    %get3A_12 = arith.constant 0 : index
    %get3A_13 = arith.constant 0 : index
    %get3A_14 = vector.load %arg2[%get3A_12, %get3A_13] : memref<782x128xf32, #tpu.memory_space<vmem>>, vector<782x128xf32>
    %add3A_15 = arith.addf %add3A, %get3A_14 : vector<782x128xf32>
    %mul3A = arith.mulf %get3A_1, %add3A_15 : vector<782x128xf32>
    %broadcast_in_dim3A = arith.constant 0.000000e+00 : f32
    %broadcast_in_dim3A_16 = vector.broadcast %broadcast_in_dim3A : f32 to vector<782x128xf32>
    %get3A_17 = arith.constant 2 : index
    %get3A_18 = arith.constant 0 : index
    %get3A_19 = memref.load %arg0[%get3A_17, %get3A_18] : memref<3x10xf32, #tpu.memory_space<smem>>
    %get3A_20 = arith.constant 0 : index
    %get3A_21 = arith.constant 0 : index
    %get3A_22 = memref.load %arg0[%get3A_20, %get3A_21] : memref<3x10xf32, #tpu.memory_space<smem>>
    %mul3A_23 = vector.broadcast %get3A_22 : f32 to vector<782x128xf32>
    %mul3A_24 = arith.mulf %mul3A, %mul3A_23 : vector<782x128xf32>
    %get3A_25 = arith.constant 1 : index
    %get3A_26 = arith.constant 0 : index
    %get3A_27 = memref.load %arg0[%get3A_25, %get3A_26] : memref<3x10xf32, #tpu.memory_space<smem>>
    %add3A_28 = vector.broadcast %get3A_27 : f32 to vector<782x128xf32>
    %add3A_29 = arith.addf %mul3A_24, %add3A_28 : vector<782x128xf32>
    %max3A = arith.constant 0.000000e+00 : f32
    %max3A_30 = vector.broadcast %max3A : f32 to vector<782x128xf32>
    %max3A_31 = arith.maximumf %add3A_29, %max3A_30 : vector<782x128xf32>
    %mul3A_32 = vector.broadcast %get3A_19 : f32 to vector<782x128xf32>
    %mul3A_33 = arith.mulf %mul3A_32, %max3A_31 : vector<782x128xf32>
    %add3A_34 = arith.addf %broadcast_in_dim3A_16, %mul3A_33 : vector<782x128xf32>
    %get3A_35 = arith.constant 2 : index
    %get3A_36 = arith.constant 1 : index
    %get3A_37 = memref.load %arg0[%get3A_35, %get3A_36] : memref<3x10xf32, #tpu.memory_space<smem>>
    %get3A_38 = arith.constant 0 : index
    %get3A_39 = arith.constant 1 : index
    %get3A_40 = memref.load %arg0[%get3A_38, %get3A_39] : memref<3x10xf32, #tpu.memory_space<smem>>
    %mul3A_41 = vector.broadcast %get3A_40 : f32 to vector<782x128xf32>
    %mul3A_42 = arith.mulf %mul3A, %mul3A_41 : vector<782x128xf32>
    %get3A_43 = arith.constant 1 : index
    %get3A_44 = arith.constant 1 : index
    %get3A_45 = memref.load %arg0[%get3A_43, %get3A_44] : memref<3x10xf32, #tpu.memory_space<smem>>
    %add3A_46 = vector.broadcast %get3A_45 : f32 to vector<782x128xf32>
    %add3A_47 = arith.addf %mul3A_42, %add3A_46 : vector<782x128xf32>
    %max3A_48 = arith.constant 0.000000e+00 : f32
    %max3A_49 = vector.broadcast %max3A_48 : f32 to vector<782x128xf32>
    %max3A_50 = arith.maximumf %add3A_47, %max3A_49 : vector<782x128xf32>
    %mul3A_51 = vector.broadcast %get3A_37 : f32 to vector<782x128xf32>
    %mul3A_52 = arith.mulf %mul3A_51, %max3A_50 : vector<782x128xf32>
    %add3A_53 = arith.addf %add3A_34, %mul3A_52 : vector<782x128xf32>
    %get3A_54 = arith.constant 2 : index
    %get3A_55 = arith.constant 2 : index
    %get3A_56 = memref.load %arg0[%get3A_54, %get3A_55] : memref<3x10xf32, #tpu.memory_space<smem>>
    %get3A_57 = arith.constant 0 : index
    %get3A_58 = arith.constant 2 : index
    %get3A_59 = memref.load %arg0[%get3A_57, %get3A_58] : memref<3x10xf32, #tpu.memory_space<smem>>
    %mul3A_60 = vector.broadcast %get3A_59 : f32 to vector<782x128xf32>
    %mul3A_61 = arith.mulf %mul3A, %mul3A_60 : vector<782x128xf32>
    %get3A_62 = arith.constant 1 : index
    %get3A_63 = arith.constant 2 : index
    %get3A_64 = memref.load %arg0[%get3A_62, %get3A_63] : memref<3x10xf32, #tpu.memory_space<smem>>
    %add3A_65 = vector.broadcast %get3A_64 : f32 to vector<782x128xf32>
    %add3A_66 = arith.addf %mul3A_61, %add3A_65 : vector<782x128xf32>
    %max3A_67 = arith.constant 0.000000e+00 : f32
    %max3A_68 = vector.broadcast %max3A_67 : f32 to vector<782x128xf32>
    %max3A_69 = arith.maximumf %add3A_66, %max3A_68 : vector<782x128xf32>
    %mul3A_70 = vector.broadcast %get3A_56 : f32 to vector<782x128xf32>
    %mul3A_71 = arith.mulf %mul3A_70, %max3A_69 : vector<782x128xf32>
    %add3A_72 = arith.addf %add3A_53, %mul3A_71 : vector<782x128xf32>
    %get3A_73 = arith.constant 2 : index
    %get3A_74 = arith.constant 3 : index
    %get3A_75 = memref.load %arg0[%get3A_73, %get3A_74] : memref<3x10xf32, #tpu.memory_space<smem>>
    %get3A_76 = arith.constant 0 : index
    %get3A_77 = arith.constant 3 : index
    %get3A_78 = memref.load %arg0[%get3A_76, %get3A_77] : memref<3x10xf32, #tpu.memory_space<smem>>
    %mul3A_79 = vector.broadcast %get3A_78 : f32 to vector<782x128xf32>
    %mul3A_80 = arith.mulf %mul3A, %mul3A_79 : vector<782x128xf32>
    %get3A_81 = arith.constant 1 : index
    %get3A_82 = arith.constant 3 : index
    %get3A_83 = memref.load %arg0[%get3A_81, %get3A_82] : memref<3x10xf32, #tpu.memory_space<smem>>
    %add3A_84 = vector.broadcast %get3A_83 : f32 to vector<782x128xf32>
    %add3A_85 = arith.addf %mul3A_80, %add3A_84 : vector<782x128xf32>
    %max3A_86 = arith.constant 0.000000e+00 : f32
    %max3A_87 = vector.broadcast %max3A_86 : f32 to vector<782x128xf32>
    %max3A_88 = arith.maximumf %add3A_85, %max3A_87 : vector<782x128xf32>
    %mul3A_89 = vector.broadcast %get3A_75 : f32 to vector<782x128xf32>
    %mul3A_90 = arith.mulf %mul3A_89, %max3A_88 : vector<782x128xf32>
    %add3A_91 = arith.addf %add3A_72, %mul3A_90 : vector<782x128xf32>
    %get3A_92 = arith.constant 2 : index
    %get3A_93 = arith.constant 4 : index
    %get3A_94 = memref.load %arg0[%get3A_92, %get3A_93] : memref<3x10xf32, #tpu.memory_space<smem>>
    %get3A_95 = arith.constant 0 : index
    %get3A_96 = arith.constant 4 : index
    %get3A_97 = memref.load %arg0[%get3A_95, %get3A_96] : memref<3x10xf32, #tpu.memory_space<smem>>
    %mul3A_98 = vector.broadcast %get3A_97 : f32 to vector<782x128xf32>
    %mul3A_99 = arith.mulf %mul3A, %mul3A_98 : vector<782x128xf32>
    %get3A_100 = arith.constant 1 : index
    %get3A_101 = arith.constant 4 : index
    %get3A_102 = memref.load %arg0[%get3A_100, %get3A_101] : memref<3x10xf32, #tpu.memory_space<smem>>
    %add3A_103 = vector.broadcast %get3A_102 : f32 to vector<782x128xf32>
    %add3A_104 = arith.addf %mul3A_99, %add3A_103 : vector<782x128xf32>
    %max3A_105 = arith.constant 0.000000e+00 : f32
    %max3A_106 = vector.broadcast %max3A_105 : f32 to vector<782x128xf32>
    %max3A_107 = arith.maximumf %add3A_104, %max3A_106 : vector<782x128xf32>
    %mul3A_108 = vector.broadcast %get3A_94 : f32 to vector<782x128xf32>
    %mul3A_109 = arith.mulf %mul3A_108, %max3A_107 : vector<782x128xf32>
    %add3A_110 = arith.addf %add3A_91, %mul3A_109 : vector<782x128xf32>
    %get3A_111 = arith.constant 2 : index
    %get3A_112 = arith.constant 5 : index
    %get3A_113 = memref.load %arg0[%get3A_111, %get3A_112] : memref<3x10xf32, #tpu.memory_space<smem>>
    %get3A_114 = arith.constant 0 : index
    %get3A_115 = arith.constant 5 : index
    %get3A_116 = memref.load %arg0[%get3A_114, %get3A_115] : memref<3x10xf32, #tpu.memory_space<smem>>
    %mul3A_117 = vector.broadcast %get3A_116 : f32 to vector<782x128xf32>
    %mul3A_118 = arith.mulf %mul3A, %mul3A_117 : vector<782x128xf32>
    %get3A_119 = arith.constant 1 : index
    %get3A_120 = arith.constant 5 : index
    %get3A_121 = memref.load %arg0[%get3A_119, %get3A_120] : memref<3x10xf32, #tpu.memory_space<smem>>
    %add3A_122 = vector.broadcast %get3A_121 : f32 to vector<782x128xf32>
    %add3A_123 = arith.addf %mul3A_118, %add3A_122 : vector<782x128xf32>
    %max3A_124 = arith.constant 0.000000e+00 : f32
    %max3A_125 = vector.broadcast %max3A_124 : f32 to vector<782x128xf32>
    %max3A_126 = arith.maximumf %add3A_123, %max3A_125 : vector<782x128xf32>
    %mul3A_127 = vector.broadcast %get3A_113 : f32 to vector<782x128xf32>
    %mul3A_128 = arith.mulf %mul3A_127, %max3A_126 : vector<782x128xf32>
    %add3A_129 = arith.addf %add3A_110, %mul3A_128 : vector<782x128xf32>
    %get3A_130 = arith.constant 2 : index
    %get3A_131 = arith.constant 6 : index
    %get3A_132 = memref.load %arg0[%get3A_130, %get3A_131] : memref<3x10xf32, #tpu.memory_space<smem>>
    %get3A_133 = arith.constant 0 : index
    %get3A_134 = arith.constant 6 : index
    %get3A_135 = memref.load %arg0[%get3A_133, %get3A_134] : memref<3x10xf32, #tpu.memory_space<smem>>
    %mul3A_136 = vector.broadcast %get3A_135 : f32 to vector<782x128xf32>
    %mul3A_137 = arith.mulf %mul3A, %mul3A_136 : vector<782x128xf32>
    %get3A_138 = arith.constant 1 : index
    %get3A_139 = arith.constant 6 : index
    %get3A_140 = memref.load %arg0[%get3A_138, %get3A_139] : memref<3x10xf32, #tpu.memory_space<smem>>
    %add3A_141 = vector.broadcast %get3A_140 : f32 to vector<782x128xf32>
    %add3A_142 = arith.addf %mul3A_137, %add3A_141 : vector<782x128xf32>
    %max3A_143 = arith.constant 0.000000e+00 : f32
    %max3A_144 = vector.broadcast %max3A_143 : f32 to vector<782x128xf32>
    %max3A_145 = arith.maximumf %add3A_142, %max3A_144 : vector<782x128xf32>
    %mul3A_146 = vector.broadcast %get3A_132 : f32 to vector<782x128xf32>
    %mul3A_147 = arith.mulf %mul3A_146, %max3A_145 : vector<782x128xf32>
    %add3A_148 = arith.addf %add3A_129, %mul3A_147 : vector<782x128xf32>
    %get3A_149 = arith.constant 2 : index
    %get3A_150 = arith.constant 7 : index
    %get3A_151 = memref.load %arg0[%get3A_149, %get3A_150] : memref<3x10xf32, #tpu.memory_space<smem>>
    %get3A_152 = arith.constant 0 : index
    %get3A_153 = arith.constant 7 : index
    %get3A_154 = memref.load %arg0[%get3A_152, %get3A_153] : memref<3x10xf32, #tpu.memory_space<smem>>
    %mul3A_155 = vector.broadcast %get3A_154 : f32 to vector<782x128xf32>
    %mul3A_156 = arith.mulf %mul3A, %mul3A_155 : vector<782x128xf32>
    %get3A_157 = arith.constant 1 : index
    %get3A_158 = arith.constant 7 : index
    %get3A_159 = memref.load %arg0[%get3A_157, %get3A_158] : memref<3x10xf32, #tpu.memory_space<smem>>
    %add3A_160 = vector.broadcast %get3A_159 : f32 to vector<782x128xf32>
    %add3A_161 = arith.addf %mul3A_156, %add3A_160 : vector<782x128xf32>
    %max3A_162 = arith.constant 0.000000e+00 : f32
    %max3A_163 = vector.broadcast %max3A_162 : f32 to vector<782x128xf32>
    %max3A_164 = arith.maximumf %add3A_161, %max3A_163 : vector<782x128xf32>
    %mul3A_165 = vector.broadcast %get3A_151 : f32 to vector<782x128xf32>
    %mul3A_166 = arith.mulf %mul3A_165, %max3A_164 : vector<782x128xf32>
    %add3A_167 = arith.addf %add3A_148, %mul3A_166 : vector<782x128xf32>
    %get3A_168 = arith.constant 2 : index
    %get3A_169 = arith.constant 8 : index
    %get3A_170 = memref.load %arg0[%get3A_168, %get3A_169] : memref<3x10xf32, #tpu.memory_space<smem>>
    %get3A_171 = arith.constant 0 : index
    %get3A_172 = arith.constant 8 : index
    %get3A_173 = memref.load %arg0[%get3A_171, %get3A_172] : memref<3x10xf32, #tpu.memory_space<smem>>
    %mul3A_174 = vector.broadcast %get3A_173 : f32 to vector<782x128xf32>
    %mul3A_175 = arith.mulf %mul3A, %mul3A_174 : vector<782x128xf32>
    %get3A_176 = arith.constant 1 : index
    %get3A_177 = arith.constant 8 : index
    %get3A_178 = memref.load %arg0[%get3A_176, %get3A_177] : memref<3x10xf32, #tpu.memory_space<smem>>
    %add3A_179 = vector.broadcast %get3A_178 : f32 to vector<782x128xf32>
    %add3A_180 = arith.addf %mul3A_175, %add3A_179 : vector<782x128xf32>
    %max3A_181 = arith.constant 0.000000e+00 : f32
    %max3A_182 = vector.broadcast %max3A_181 : f32 to vector<782x128xf32>
    %max3A_183 = arith.maximumf %add3A_180, %max3A_182 : vector<782x128xf32>
    %mul3A_184 = vector.broadcast %get3A_170 : f32 to vector<782x128xf32>
    %mul3A_185 = arith.mulf %mul3A_184, %max3A_183 : vector<782x128xf32>
    %add3A_186 = arith.addf %add3A_167, %mul3A_185 : vector<782x128xf32>
    %get3A_187 = arith.constant 2 : index
    %get3A_188 = arith.constant 9 : index
    %get3A_189 = memref.load %arg0[%get3A_187, %get3A_188] : memref<3x10xf32, #tpu.memory_space<smem>>
    %get3A_190 = arith.constant 0 : index
    %get3A_191 = arith.constant 9 : index
    %get3A_192 = memref.load %arg0[%get3A_190, %get3A_191] : memref<3x10xf32, #tpu.memory_space<smem>>
    %mul3A_193 = vector.broadcast %get3A_192 : f32 to vector<782x128xf32>
    %mul3A_194 = arith.mulf %mul3A, %mul3A_193 : vector<782x128xf32>
    %get3A_195 = arith.constant 1 : index
    %get3A_196 = arith.constant 9 : index
    %get3A_197 = memref.load %arg0[%get3A_195, %get3A_196] : memref<3x10xf32, #tpu.memory_space<smem>>
    %add3A_198 = vector.broadcast %get3A_197 : f32 to vector<782x128xf32>
    %add3A_199 = arith.addf %mul3A_194, %add3A_198 : vector<782x128xf32>
    %max3A_200 = arith.constant 0.000000e+00 : f32
    %max3A_201 = vector.broadcast %max3A_200 : f32 to vector<782x128xf32>
    %max3A_202 = arith.maximumf %add3A_199, %max3A_201 : vector<782x128xf32>
    %mul3A_203 = vector.broadcast %get3A_189 : f32 to vector<782x128xf32>
    %mul3A_204 = arith.mulf %mul3A_203, %max3A_202 : vector<782x128xf32>
    %add3A_205 = arith.addf %add3A_186, %mul3A_204 : vector<782x128xf32>
    %mul3A_206 = arith.mulf %add3A_205, %get3A_1 : vector<782x128xf32>
    %swap3A = arith.constant 0 : index
    %swap3A_207 = arith.constant 0 : index
    %swap3A_208 = vector.load %arg4[%swap3A, %swap3A_207] : memref<782x128xf32, #tpu.memory_space<vmem>>, vector<782x128xf32>
    tpu.vector_store %arg4[%swap3A, %swap3A_207], %mul3A_206 {strides = array<i32>} : memref<782x128xf32, #tpu.memory_space<vmem>>, vector<782x128xf32>,
    return
  }
}

module attributes {stable_mosaic.version = 14 : i64} {
  func.func @_ew3_body(%arg0: memref<1xf32, #tpu.memory_space<smem>>, %arg1: memref<2x782x128xf32, #tpu.memory_space<vmem>>, %arg2: memref<782x128xf32, #tpu.memory_space<vmem>>, %arg3: memref<782x128xf32, #tpu.memory_space<vmem>>, %arg4: memref<782x128xf32, #tpu.memory_space<vmem>>) attributes {dimension_semantics = [], scalar_prefetch = 0 : i64, scratch_operands = 0 : i64, tpu.core_type = #tpu.core_type<tc>} {
    %get3A = arith.constant 0 : index
    %get3A_0 = arith.constant 0 : index
    %get3A_1 = vector.load %arg3[%get3A, %get3A_0] : memref<782x128xf32, #tpu.memory_space<vmem>>, vector<782x128xf32>
    %get3A_2 = arith.constant 0 : index
    %get3A_3 = arith.constant 0 : index
    %get3A_4 = arith.constant 0 : index
    %get3A_5 = vector.load %arg1[%get3A_2, %get3A_3, %get3A_4] : memref<2x782x128xf32, #tpu.memory_space<vmem>>, vector<1x782x128xf32>
    %get3A_6 = vector.shape_cast %get3A_5 : vector<1x782x128xf32> to vector<782x128xf32>
    %get3A_7 = arith.constant 1 : index
    %get3A_8 = arith.constant 0 : index
    %get3A_9 = arith.constant 0 : index
    %get3A_10 = vector.load %arg1[%get3A_7, %get3A_8, %get3A_9] : memref<2x782x128xf32, #tpu.memory_space<vmem>>, vector<1x782x128xf32>
    %get3A_11 = vector.shape_cast %get3A_10 : vector<1x782x128xf32> to vector<782x128xf32>
    %add3A = arith.addf %get3A_6, %get3A_11 : vector<782x128xf32>
    %get3A_12 = arith.constant 0 : index
    %get3A_13 = arith.constant 0 : index
    %get3A_14 = vector.load %arg2[%get3A_12, %get3A_13] : memref<782x128xf32, #tpu.memory_space<vmem>>, vector<782x128xf32>
    %add3A_15 = arith.addf %add3A, %get3A_14 : vector<782x128xf32>
    %mul3A = arith.mulf %get3A_1, %add3A_15 : vector<782x128xf32>
    %get3A_16 = arith.constant 0 : index
    %get3A_17 = memref.load %arg0[%get3A_16] : memref<1xf32, #tpu.memory_space<smem>>
    %add3A_18 = vector.broadcast %get3A_17 : f32 to vector<782x128xf32>
    %add3A_19 = arith.addf %mul3A, %add3A_18 : vector<782x128xf32>
    %jit3A = arith.constant -5.000000e-01 : f32
    %jit3A_20 = arith.constant 9.500000e+00 : f32
    %max3A = vector.broadcast %jit3A : f32 to vector<782x128xf32>
    %max3A_21 = arith.maximumf %max3A, %add3A_19 : vector<782x128xf32>
    %min3A = vector.broadcast %jit3A_20 : f32 to vector<782x128xf32>
    %min3A_22 = arith.minimumf %min3A, %max3A_21 : vector<782x128xf32>
    %swap3A = arith.constant 0 : index
    %swap3A_23 = arith.constant 0 : index
    %swap3A_24 = vector.load %arg4[%swap3A, %swap3A_23] : memref<782x128xf32, #tpu.memory_space<vmem>>, vector<782x128xf32>
    tpu.vector_store %arg4[%swap3A, %swap3A_23], %min3A_22 {strides = array<i32>} : memref<782x128xf32, #tpu.memory_space<vmem>>, vector<782x128xf32>,
    return
  }
}

</mosaic_0001>

<sc_bundles>
// kernel: kernel.11.cloned.1.call-start
scs
__scs_entry_jumppad:
0x0: {  	(pc) =	sbr.rel $0x88, $3  }
0x1: {  	(tag) =	ssettag $0x0;
	lr =	simm.s32 $0x1  }
0x2: {  	[smem:$0x3F9B] =	sst lr;
	_ =	strace $0xD0000000  }
0x3: {  	_ = 	snop  }
0x4: {  	_ = 	snop  }
0x5: {  	_ = 	snop  }
0x6: {  	_ = 	snop  }
0x7: {  	_ = 	snop  }
__scs_overlays_trampoline_lowered:
0x8: {  	[smem:$0x3FAA] =	sst s0  }
0x9: {  	[smem:$0x3FAB] =	sst s1  }
0xa: {  	[smem:$0x3FAC] =	sst s2  }
0xb: {  	[smem:$0x3FAD] =	sst s3  }
0xc: {  	[smem:$0x3FAE] =	sst s4  }
0xd: {  	[smem:$0x3FAF] =	sst s5  }
0xe: {  	[smem:$0x3FB0] =	sst s6  }
0xf: {  	[smem:$0x3FB1] =	sst s7  }
0x10: {  	[smem:$0x3FB2] =	sst s8  }
0x11: {  	[smem:$0x3FB3] =	sst s9;
	s0 =	simm.s32 @!p0 $0x0  }
0x12: {  	s1 =	sld [smem:$0x3F99];
	s0 =	simm.s32 @p0 $0x1  }
0x13: {  	[smem:$0x3FB4] =	sst s0;
	s0 =	simm.s32 @!p1 $0x0  }
0x14: {  	s2 =	sld [smem:$0x3F98];
	s0 =	simm.s32 @p1 $0x1  }
0x15: {  	[smem:$0x3FB5] =	sst s0;
	s0 =	simm.s32 @!p2 $0x0  }
0x16: {  	s3 =	sld [smem:$0x3FDB];
	s0 =	simm.s32 @p2 $0x1  }
0x17: {  	s4 =	simm.s32 $0x1BF5;
	[smem:$0x3FB7] =	sst s0  }
0x18: {  	s0 =	sld [smem:$0x3F9A];
	_ =	swait.ge [sflag:s4], $0x0  }
0x19: {  	s7 =	sld [smem:$0x3F9B]  }
0x1a: {  	s8 =	sadd.s32 $0xFFFFE003, lr  }
0x1b: {  	s9 =	sadd.s32 $0xFFFFFEF7, lr;
	s5 =	simm.s32 $0xFFFFFFFF;
	p2 =	slt.u32 s8, $0xFFFFF086  }
0x1c: {  	p1 =	slt.u32 s9, $0xF7A;
	s5 =	simm.s32 @!p2 $0x0  }
0x1d: {  	s5 =	simm.s32 @p1 $0x1;
	p0 =	seq.s32 s7, s2  }
0x1e: {  	s7 =	smul.u32 @!p0 $0xF7A, s2;
	p2 =	seq.s32 @!p0 s5, $0x0  }
0x1f: {  	s9 =	smul.u32 $0xF7A, s1;
	s8 =	simm.s32 @!p0 $0x1BF5;
	p2 =	por !p2, p0  }
0x20: {  	[sflag:s8] =	ssyncset.s32 @!p0 $0xFFFFF086;
	s6 =	sadd.s32 @!p0 s3, s7;
	s7 =	simm.s32 @!p0 $0x108  }
0x21: {  	s3 =	sadd.s32 s3, s9;
	s6 =	sadd.s32 @!p0 $0x88, s6;
	s7 =	simm.s32 @p2 $0x1082  }
0x22: {  	[simem:s7], [sflag:s8] =	dma.local @!p0 [hbm:s6], $0xF7A  }
0x23: {  	s9 =	sor.u32 $0xD0000000, s2;
	s6 =	simm.s32 $0x108;
	_ =	swait.ge @!p0 [sflag:s8], $0x0  }
0x24: {  	s3 =	sadd.s32 $0x88, s3;
	s6 =	simm.s32 @!p1 $0x1082;
	[sflag:s4] =	ssyncset.s32 $0xFFFFF086  }
0x25: {  	[simem:s6], [sflag:s4] =	dma.local [hbm:s3], $0xF7A  }
0x26: {  	[smem:$0x3F9B] =	sst s1;
	(tag) =	ssettag s2;
	_ =	strace s9  }
0x27: {  	s1 =	sld [smem:$0x3FAB]  }
0x28: {  	s2 =	sld [smem:$0x3FAC]  }
0x29: {  	s4 =	sld [smem:$0x3FAE]  }
0x2a: {  	p0 =	seq.s32 s5, $0x0;
	s5 =	sld [smem:$0x3FAF]  }
0x2b: {  	s6 =	sld [smem:$0x3FB0]  }
0x2c: {  	s7 =	sld [smem:$0x3FB1]  }
0x2d: {  	s3 =	simm.s32 $0x108;
	s8 =	sld [smem:$0x3FB2]  }
0x2e: {  	s3 =	simm.s32 @!p0 $0x1082;
	s9 =	sld [smem:$0x3FB3]  }
0x2f: {  	lr =	sadd.s32 s0, s3;
	s0 =	sld [smem:$0x3FAA]  }
0x30: {  	s3 =	sld [smem:$0x3FAD]  }
0x31: {  	[smem:$0x3FB6] =	sst s10  }
0x32: {  	s10 =	sld [smem:$0x3FB4];
	_ =	sdelay $0x3  }
0x33: {  	p0 =	seq.s32 s10, $0x1;
	s10 =	sld [smem:$0x3FB6];
	_ =	sdelay $0x3  }
0x34: {  	[smem:$0x3FB6] =	sst s10  }
0x35: {  	s10 =	sld [smem:$0x3FB5];
	_ =	sdelay $0x3  }
0x36: {  	p1 =	seq.s32 s10, $0x1;
	s10 =	sld [smem:$0x3FB6];
	_ =	sdelay $0x3  }
0x37: {  	[smem:$0x3FB6] =	sst s10  }
0x38: {  	s10 =	sld [smem:$0x3FB7]  }
0x39: {  	_ = 	snop;
	(pc) =	sbr.ind lr, $3  }
0x3a: {  	_ = 	snop  }
0x3b: {  	_ = 	snop  }
0x3c: {  	p2 =	seq.s32 s10, $0x1;
	s10 =	sld [smem:$0x3FB6]  }
0x3d: {  	_ =	shalt  }
0x3e: {  	_ =	shalt  }
0x3f: {  	_ =	shalt  }
0x40: {  	_ =	shalt  }
0x41: {  	_ =	shalt  }
0x42: {  	_ =	shalt  }
0x43: {  	_ =	shalt  }
0x44: {  	_ =	shalt  }
0x45: {  	_ =	shalt  }
0x46: {  	_ =	shalt  }
0x47: {  	_ =	shalt  }
0x48: {  	_ =	shalt  }
0x49: {  	_ =	shalt  }
0x4a: {  	_ =	shalt  }
0x4b: {  	_ =	shalt  }
0x4c: {  	_ =	shalt  }
0x4d: {  	_ =	shalt  }
0x4e: {  	_ =	shalt  }
0x4f: {  	_ =	shalt  }
0x50: {  	_ =	shalt  }
0x51: {  	_ =	shalt  }
0x52: {  	_ =	shalt  }
0x53: {  	_ =	shalt  }
0x54: {  	_ =	shalt  }
0x55: {  	_ =	shalt  }
0x56: {  	_ =	shalt  }
0x57: {  	_ =	shalt  }
0x58: {  	_ =	shalt  }
0x59: {  	_ =	shalt  }
0x5a: {  	_ =	shalt  }
0x5b: {  	_ =	shalt  }
0x5c: {  	_ =	shalt  }
0x5d: {  	_ =	shalt  }
0x5e: {  	_ =	shalt  }
0x5f: {  	_ =	shalt  }
0x60: {  	_ =	shalt  }
0x61: {  	_ =	shalt  }
0x62: {  	_ =	shalt  }
0x63: {  	_ =	shalt  }
0x64: {  	_ =	shalt  }
0x65: {  	_ =	shalt  }
0x66: {  	_ =	shalt  }
0x67: {  	_ =	shalt  }
0x68: {  	_ =	shalt  }
0x69: {  	_ =	shalt  }
0x6a: {  	_ =	shalt  }
0x6b: {  	_ =	shalt  }
0x6c: {  	_ =	shalt  }
0x6d: {  	_ =	shalt  }
0x6e: {  	_ =	shalt  }
0x6f: {  	_ =	shalt  }
0x70: {  	_ =	shalt  }
0x71: {  	_ =	shalt  }
0x72: {  	_ =	shalt  }
0x73: {  	_ =	shalt  }
0x74: {  	_ =	shalt  }
0x75: {  	_ =	shalt  }
0x76: {  	_ =	shalt  }
0x77: {  	_ =	shalt  }
0x78: {  	_ =	shalt  }
0x79: {  	_ =	shalt  }
0x7a: {  	_ =	shalt  }
0x7b: {  	_ =	shalt  }
0x7c: {  	_ =	shalt  }
0x7d: {  	_ =	shalt  }
0x7e: {  	_ =	shalt  }
0x7f: {  	_ =	shalt  }
0x80: {  	_ =	shalt  }
0x81: {  	_ =	shalt  }
0x82: {  	_ =	shalt  }
0x83: {  	_ =	shalt  }
0x84: {  	_ =	shalt  }
0x85: {  	_ =	shalt  }
0x86: {  	_ =	shalt  }
0x87: {  	_ =	shalt  }
.Lfunc_end0:
.L_simem_size_0:
called_computation.1_lowered:
.L_overlay_start_0:
0x88: {  	s2 =	sld [smem:$0x3FD9]  }
0x89: {  	s3 =	sld [smem:$0x3FFE];
	_ =	sdelay $0x1  }
0x8a: {  	s1 =	srdreg.scid  }
0x8b: {  	s0 =	sand.u32 $0x1, s1  }
0x8c: {  	s16 =	sshll.u32 s0, $0xA;
	s2 =	sadd.s32 s3, s2  }
0x8d: {  	s2 =	sadd.s32 s2, s16  }
0x8e: {  	[smem:$0x3FC2] =	sst s2  }
0x8f: {  	_ = 	snop  }
0x90: {  	(tm) =	ssettm $0x1  }
0x91: {  	s17 =	sld [smem:$0x3FFB];
	_ =	sdelay $0x3  }
0x92: {  	_ =	strace s17  }
0x93: {  	s2 =	sld [smem:$0x3FFC];
	_ =	sdelay $0x3  }
0x94: {  	_ =	strace s2  }
0x95: {  	s2 =	sld [smem:$0x3FFD];
	_ =	sdelay $0x3  }
0x96: {  	_ =	strace s2  }
0x97: {  	_ =	strace $0x8FFFFFFF  }
0x98: {  	s18 =	sld [smem:$0x3FDB];
	_ =	sdelay $0x1  }
0x99: {  	s19 =	simm.s32 $_scs_section_size  }
0x9a: {  	s4 =	simm.s32 $_size__tile_overlayer_lowered;
	s5 =	simm.s32 $_tile_overlayer_lowered  }
0x9b: {  	s22 =	simm.s32 $0x1BFF;
	s21 =	sshll.u32 s5, $0x1;
	s2 =	sadd.s32 s19, s18  }
0x9c: {  	s6 =	simm.s32 $0x0;
	s20 =	sshll.u32 s4, $0x1;
	s4 =	sadd.s32 s21, s2  }
0x9d: {  	[timem:s6], [sflag:s22] =	dma.local [hbm:s4], s20  }
0x9e: {  	_ =	swait.ge [sflag:s22], s20  }
0x9f: {  	s3 =	ssub.s32 $0x0, s20;
	[sflag:s22] =	ssyncset.done $0x0  }
0xa0: {  	[sflag:s22] =	ssyncadd.s32 s3;
	_ =	sdelay $0x1  }
0xa1: {  	s23 =	simm.s32 $0x1B8B  }
0xa2: {  	_ =	swait.ge [sflag:s23], $0x1  }
0xa3: {  	[sflag:s23] =	ssyncset.done $0x0  }
0xa4: {  	s25 =	simm.s32 $0x1B8E;
	s24 =	sld [smem:$0x3FFE];
	[sflag:s23] =	ssyncadd.s32 $0xFFFFFFFF  }
0xa5: {  	s26 =	simm.s32 $execute0_lowered;
	[smem:$0x3FD2] =	sst s25  }
0xa6: {  	s4 =	sshll.u32 s26, $0x1;
	_ =	strace $0x80000049;
	[dreg:$0x1] =	wrdreg $0xFFFFFFFF  }
0xa7: {  	s28 =	simm.s32 $_size_execute0_lowered;
	s2 =	sadd.s32 s2, s4;
	[dreg:$0x0] =	wrdreg $0x0  }
0xa8: {  	s4 =	sshll.u32 s28, $0x1;
	[dreg:$0x2] =	wrdreg s2  }
0xa9: {  	[dreg:$0x3] =	wrdreg s4  }
0xaa: {  	[dreg:$0x4] =	wrdreg $0xC0  }
0xab: {  	_ =	task [dreg:s6], $0x5FFFF  }
0xac: {  	[dreg:$0x1] =	wrdreg $0xFFFFFFFF  }
0xad: {  	[dreg:$0x0] =	wrdreg $0x60  }
0xae: {  	[dreg:$0x2] =	wrdreg s24  }
0xaf: {  	[dreg:$0x3] =	wrdreg $0x1E5800  }
0xb0: {  	[dreg:$0x4] =	wrdreg $0x9  }
0xb1: {  	_ =	task.clear_ibuf [dreg:s6], $0x5FFFF;
	_ =	strace $0x90000049  }
0xb2: {  	s29 =	simm.s32 $0x9;
	_ =	strace $0x8000004B  }
0xb3: {  	_ =	swait.ge [sflag:s29], $0x1  }
0xb4: {  	[sflag:s29] =	ssyncadd.s32 $0xFFFFFFFF  }
0xb5: {  	_ =	strace $0x9000004B  }
0xb6: {  	_ =	sfence  }
0xb7: {  	s30 =	sld [smem:$0x0];
	_ =	sdelay $0x2  }
0xb8: {  	s31 =	sshll.u32 s1, $0xD;
	s1 =	sshrl.u32 s1, $0x2  }
0xb9: {  	s3 =	sand.u32 $0x4000, s31;
	s1 =	sadd.s32 s1, s30  }
0xba: {  	s0 =	sor.u32 s3, s0;
	s1 =	sshll.u32 s1, $0x11  }
0xbb: {  	s0 =	sor.u32 s1, s0  }
0xbc: {  	s0 =	sadd.s32 $0x8F2B, s0  }
0xbd: {  	[sflag:s0] =	ssyncadd.remote.s32 $0x1  }
0xbe: {  	_ =	sfence.sel $0xFFFF  }
0xbf: {  	[dreg:$0x0] =	wrdreg $0xFFFFFFFF;
	(pc) =	sbr.abs _section_cstart, $3  }
0xc0: {  	[dreg:$0x1] =	wrdreg $0xFFFFFFFF  }
0xc1: {  	_ =	task.clear_ibuf [dreg:s6], $0x2FFFF;
	_ =	strace $0x9FFFFFFF  }
0xc2: {  	(tm) =	ssettm $0x7FFFFFFF  }
0xc3: {  	_ =	shalt  }
tec
execute0_lowered:
.L_overlay_start_1:
0x0: {  	(tag) =	ssettag $0x1  }
0x1: {  	s7 =	rddreg [dreg:$0x0]  }
0x2: {  	s2 =	rddreg [dreg:$0x1]  }
0x3: {  	s0 =	rddreg [dreg:$0x2]  }
0x4: {  	s4 =	srdreg.scid;
	s1 =	stileid.u32  }
0x5: {  	s3 =	simm.s32 $0x0;
	s13 =	simm.s32 $0x18700;
	s14 =	simm.s32 $0x1A680  }
0x6: {  	s15 =	simm.s32 $0x1F40;
	s16 =	simm.s32 $0x0;
	s8 =	sand.u32 $0x1, s4  }
0x7: {  	s9 =	smul.u32 $0x1870, s1;
	[smem:$0x7FF] =	sst s3;
	s4 =	sadd.s32 $0xC5200, s7  }
0x8: {  	s5 =	sadd.s32 $0x1C00, s7;
	s12 =	sshll.u32 s1, $0x1;
	s6 =	smul.u32 $0x18700, s8  }
0x9: {  	_ =	strace $0x8000004A;
	s11 =	ssub.s32 $0x2, s8;
	s8 =	sor.u32 s8, s12  }
0xa: {  	s12 =	simm.s32 $0x1C600;
	s31 =	sshrl.u32 s11, $0x1;
	s10 =	sadd.s32 s9, s6  }
0xb: {  	s8 =	smul.u32 $0x30D40, s8;
	s6 =	sadd.s32 $0x188800, s7;
	s10 =	sshrl.u32 s10, $0x3  }
0xc: {  	s11 =	ssub.s32 s11, s31;
	s10 =	sadd.s32 s10, s7;
	s7 =	sadd.s32 s9, s2  }
0xd: {  	v0 =	vimm.f32 $0.0e+00;
	s9 =	sadd.s32 $0x18BA00, s10;
	s10 =	smax.u32 s11, $0x1;
	s11 =	simm.s32 $0x1  }
.LBB2_1:
0xe: {  	[tilespmem:s3], [sflag:$0x1] =	stream.linear.gather [hbm4b:s6+s3], $0x18700, $0x38;
	[tilespmem:$0x1FDF0] =	vst v63  }
0xf: {  	_ =	swait.ge [sflag:s11], $0x18700  }
0x10: {  	[sflag:s11] =	ssyncset.done $0x0  }
0x11: {  	s17 =	simm.s32 $0x40;
	s18 =	simm.s32 $0x0;
	[sflag:s11] =	ssyncadd.s32 $0xFFFE7900  }
.LBB2_2:
0x12: {  	p0 =	sne.s32 s17, $0x6180;
	[tilespmem:s18+$0x1C600] =	vst v0;
	s18 =	smov.u32 s17;
	s17 =	sadd.s32 $0x40, s17  }
.Ltmp0:
0x13: {  	(pc) =	sbr.rel @p0 .LBB2_2-.Ltmp0, $2  }
0x14: {  	_ =	sdelay $0x2  }
0x15: {  	s18 =	sshra.s32 s18, $0x2  }
0x16: {  	[tilespmem:s18+$0x1C600] =	vst v0  }
0x17: {  	[spmem:s7] =	stream.linear.scatter [tilespmem:s12], [sflag:$0x1], $0x1870, $0x38;
	[tilespmem:$0x1FDF0] =	vst v63  }
0x18: {  	_ =	swait.ge [sflag:s11], $0x1870  }
0x19: {  	[sflag:s11] =	ssyncset.done $0x0  }
0x1a: {  	[sflag:s11] =	ssyncadd.s32 $0xFFFFE790  }
0x1b: {  	s17 =	simm.s32 $0x0;
	s18 =	simm.s32 $0x0;
	[bflag:$0x0] =	sbarrier.arrive $0xFFFF  }
.LBB2_4:
0x1c: {  	s19 =	smul.u32 $0x1F40, s18;
	_ =	sdelay $0x1  }
0x1d: {  	s19 =	sadd.s32 s8, s19  }
0x1e: {  	s19 =	sshrl.u32 s19, $0x3  }
0x1f: {  	s20 =	sadd.s32 s4, s19  }
0x20: {  	[tilespmem:s13], [sflag:$0x1] =	stream.linear.gather [hbm4b:s20+s17], $0x1F40, $0x38;
	[tilespmem:$0x1FDF0] =	vst v63  }
0x21: {  	_ =	swait.ge [sflag:s11], $0x1F40  }
0x22: {  	[sflag:s11] =	ssyncset.done $0x0  }
0x23: {  	s19 =	sadd.s32 s5, s19;
	[sflag:s11] =	ssyncadd.s32 $0xFFFFE0C0  }
0x24: {  	[tilespmem:s14], [sflag:$0x1] =	stream.linear.gather [hbm4b:s19+s17], $0x1F40, $0x38;
	[tilespmem:$0x1FDF0] =	vst v63  }
0x25: {  	_ =	swait.ge [sflag:s11], $0x1F40  }
0x26: {  	[sflag:s11] =	ssyncset.done $0x0  }
0x27: {  	s19 =	simm.s32 $0x0;
	[sflag:s11] =	ssyncadd.s32 $0xFFFFE0C0  }
0x28: {  	v1 =	vld [tilespmem:s19+$0x18700];
	_ =	sdelay $0x7  }
0x29: {  	s21 =	simm.s32 $0x80;
	s20 =	simm.s32 $0x10;
	v1 =	vld.idx.msk [tilespmem:v1+s3+$0x0], $0xffff  }
.LBB2_5:
0x2a: {  	p0 =	sne.s32 s21, $0x7CC0;
	v2 =	vld [tilespmem:s20+$0x18700];
	_ =	sdelay $0x3  }
.Ltmp1:
0x2b: {  	(pc) =	sbr.rel @p0 .LBB2_5-.Ltmp1, $2  }
0x2c: {  	[tilespmem:s19+$0x1C600] =	vst v1;
	s19 =	smov.u32 s20;
	_ =	sdelay $0x2  }
0x2d: {  	s20 =	sshra.s32 s21, $0x2;
	s21 =	sadd.s32 $0x40, s21;
	v1 =	vld.idx.msk [tilespmem:v2+s3+$0x0], $0xffff  }
0x2e: {  	v2 =	vld [tilespmem:s20+$0x18700];
	_ =	sdelay $0x6  }
0x2f: {  	[tilespmem:s19+$0x1C600] =	vst v1  }
0x30: {  	v1 =	vld.idx.msk [tilespmem:v2+s3+$0x0], $0xffff;
	_ =	sdelay $0x2  }
0x31: {  	s18 =	sadd.s32 $0x1, s18  }
0x32: {  	p0 =	sne.s32 s18, $0x19  }
.Ltmp2:
0x33: {  	[tilespmem:s20+$0x1C600] =	vst v1;
	(pc) =	sbr.rel @p0 .LBB2_4-.Ltmp2, $4  }
0x34: {  	[spmem:s2] =	stream.indirect.scatter.add.f32 [tilespmem:s12], [sflag:$0x1], $0x1, s14, s15, $0xb8;
	[tilespmem:$0x1FDF0] =	vst v63  }
0x35: {  	_ =	swait.ge [sflag:s11], $0x1F40  }
0x36: {  	[sflag:s11] =	ssyncset.done $0x0  }
0x37: {  	[sflag:s11] =	ssyncadd.s32 $0xFFFFE0C0  }
0x38: {  	[bflag:$0x0] =	sbarrier.arrive $0xFFFF  }
0x39: {  	[tilespmem:s12], [sflag:$0x1] =	stream.linear.gather [spmem:s7], $0x1870, $0x38;
	[tilespmem:$0x1FDF0] =	vst v63  }
0x3a: {  	s16 =	sadd.s32 $0x1, s16;
	_ =	swait.ge [sflag:s11], $0x1870  }
0x3b: {  	p0 =	sne.s32 s16, s10;
	[sflag:s11] =	ssyncset.done $0x0  }
.Ltmp3:
0x3c: {  	[sflag:s11] =	ssyncadd.s32 $0xFFFFE790;
	(pc) =	sbr.rel @p0 .LBB2_1-.Ltmp3, $4  }
0x3d: {  	[hbm4b:s9+s3] =	stream.linear.scatter [tilespmem:s12], [sflag:$0x1], $0x1870, $0x38;
	[tilespmem:$0x1FDF0] =	vst v63  }
0x3e: {  	_ =	swait.ge [sflag:s11], $0x1870  }
0x3f: {  	[sflag:s11] =	ssyncset.done $0x0  }
0x40: {  	[sflag:s11] =	ssyncadd.s32 $0xFFFFE790  }
0x41: {  	_ =	sfence.sel $0x180000  }
0x42: {  	[bflag:$0x0] =	sbarrier.arrive $0xFFFF  }
0x43: {  	p0 =	sne.s32 s1, $0x0;
	_ =	strace $0x9000004A  }
0x44: {  	s0 =	sadd.s32 @!p0 $0x100000, s0;
	[bflag:$0x2] =	sbarrier.arrive $0xFFFF  }
0x45: {  	[sflag:s0] =	ssyncadd.tile.s32 @!p0 $0x1;
	_ =	shalt  }
.Lfunc_end2:
_tile_overlayer_lowered:
.L_overlay_start_2:
0x46: {  	(tag) =	ssettag $0x2  }
0x47: {  	s0 =	rddreg [dreg:$0x0];
	s2 =	stileid.u32  }
0x48: {  	s1 =	rddreg [dreg:$0x1];
	p0 =	sne.s32 s2, $0x0  }
0x49: {  	s3 =	rddreg [dreg:$0x2];
	[bflag:$0x3] =	sbarrier.arrive $0xFFFF;
	s2 =	simm.s32 @!p0 $0x1C01  }
0x4a: {  	[timem:s3], [sflag:s2] =	dma.local @!p0 [hbm:s0], s1  }
0x4b: {  	s0 =	simm.s32 @!p0 $0x1  }
0x4c: {  	_ =	swait.ge @!p0 [sflag:s0], s1  }
0x4d: {  	s1 =	ssub.s32 @!p0 $0x0, s1;
	[sflag:s0] =	ssyncset.done @!p0 $0x0  }
0x4e: {  	[sflag:s0] =	ssyncadd.s32 @!p0 s1  }
0x4f: {  	[bflag:$0x3] =	sbarrier.arrive $0xFFFF  }
0x50: {  	_ =	shalt  }

// kernel: kernel.14.cloned.1.call-start
scs
__scs_entry_jumppad:
0x0: {  	(pc) =	sbr.rel $0x88, $3  }
0x1: {  	(tag) =	ssettag $0x0;
	lr =	simm.s32 $0x1  }
0x2: {  	[smem:$0x3F9B] =	sst lr;
	_ =	strace $0xD0000000  }
0x3: {  	_ = 	snop  }
0x4: {  	_ = 	snop  }
0x5: {  	_ = 	snop  }
0x6: {  	_ = 	snop  }
0x7: {  	_ = 	snop  }
__scs_overlays_trampoline_lowered:
0x8: {  	[smem:$0x3FAA] =	sst s0  }
0x9: {  	[smem:$0x3FAB] =	sst s1  }
0xa: {  	[smem:$0x3FAC] =	sst s2  }
0xb: {  	[smem:$0x3FAD] =	sst s3  }
0xc: {  	[smem:$0x3FAE] =	sst s4  }
0xd: {  	[smem:$0x3FAF] =	sst s5  }
0xe: {  	[smem:$0x3FB0] =	sst s6  }
0xf: {  	[smem:$0x3FB1] =	sst s7  }
0x10: {  	[smem:$0x3FB2] =	sst s8  }
0x11: {  	[smem:$0x3FB3] =	sst s9;
	s0 =	simm.s32 @!p0 $0x0  }
0x12: {  	s1 =	sld [smem:$0x3F99];
	s0 =	simm.s32 @p0 $0x1  }
0x13: {  	[smem:$0x3FB4] =	sst s0;
	s0 =	simm.s32 @!p1 $0x0  }
0x14: {  	s2 =	sld [smem:$0x3F98];
	s0 =	simm.s32 @p1 $0x1  }
0x15: {  	[smem:$0x3FB5] =	sst s0;
	s0 =	simm.s32 @!p2 $0x0  }
0x16: {  	s3 =	sld [smem:$0x3FDB];
	s0 =	simm.s32 @p2 $0x1  }
0x17: {  	s4 =	simm.s32 $0x1BF5;
	[smem:$0x3FB7] =	sst s0  }
0x18: {  	s0 =	sld [smem:$0x3F9A];
	_ =	swait.ge [sflag:s4], $0x0  }
0x19: {  	s7 =	sld [smem:$0x3F9B]  }
0x1a: {  	s8 =	sadd.s32 $0xFFFFE003, lr  }
0x1b: {  	s9 =	sadd.s32 $0xFFFFFEF7, lr;
	s5 =	simm.s32 $0xFFFFFFFF;
	p2 =	slt.u32 s8, $0xFFFFF086  }
0x1c: {  	p1 =	slt.u32 s9, $0xF7A;
	s5 =	simm.s32 @!p2 $0x0  }
0x1d: {  	s5 =	simm.s32 @p1 $0x1;
	p0 =	seq.s32 s7, s2  }
0x1e: {  	s7 =	smul.u32 @!p0 $0xF7A, s2;
	p2 =	seq.s32 @!p0 s5, $0x0  }
0x1f: {  	s9 =	smul.u32 $0xF7A, s1;
	s8 =	simm.s32 @!p0 $0x1BF5;
	p2 =	por !p2, p0  }
0x20: {  	[sflag:s8] =	ssyncset.s32 @!p0 $0xFFFFF086;
	s6 =	sadd.s32 @!p0 s3, s7;
	s7 =	simm.s32 @!p0 $0x108  }
0x21: {  	s3 =	sadd.s32 s3, s9;
	s6 =	sadd.s32 @!p0 $0x88, s6;
	s7 =	simm.s32 @p2 $0x1082  }
0x22: {  	[simem:s7], [sflag:s8] =	dma.local @!p0 [hbm:s6], $0xF7A  }
0x23: {  	s9 =	sor.u32 $0xD0000000, s2;
	s6 =	simm.s32 $0x108;
	_ =	swait.ge @!p0 [sflag:s8], $0x0  }
0x24: {  	s3 =	sadd.s32 $0x88, s3;
	s6 =	simm.s32 @!p1 $0x1082;
	[sflag:s4] =	ssyncset.s32 $0xFFFFF086  }
0x25: {  	[simem:s6], [sflag:s4] =	dma.local [hbm:s3], $0xF7A  }
0x26: {  	[smem:$0x3F9B] =	sst s1;
	(tag) =	ssettag s2;
	_ =	strace s9  }
0x27: {  	s1 =	sld [smem:$0x3FAB]  }
0x28: {  	s2 =	sld [smem:$0x3FAC]  }
0x29: {  	s4 =	sld [smem:$0x3FAE]  }
0x2a: {  	p0 =	seq.s32 s5, $0x0;
	s5 =	sld [smem:$0x3FAF]  }
0x2b: {  	s6 =	sld [smem:$0x3FB0]  }
0x2c: {  	s7 =	sld [smem:$0x3FB1]  }
0x2d: {  	s3 =	simm.s32 $0x108;
	s8 =	sld [smem:$0x3FB2]  }
0x2e: {  	s3 =	simm.s32 @!p0 $0x1082;
	s9 =	sld [smem:$0x3FB3]  }
0x2f: {  	lr =	sadd.s32 s0, s3;
	s0 =	sld [smem:$0x3FAA]  }
0x30: {  	s3 =	sld [smem:$0x3FAD]  }
0x31: {  	[smem:$0x3FB6] =	sst s10  }
0x32: {  	s10 =	sld [smem:$0x3FB4];
	_ =	sdelay $0x3  }
0x33: {  	p0 =	seq.s32 s10, $0x1;
	s10 =	sld [smem:$0x3FB6];
	_ =	sdelay $0x3  }
0x34: {  	[smem:$0x3FB6] =	sst s10  }
0x35: {  	s10 =	sld [smem:$0x3FB5];
	_ =	sdelay $0x3  }
0x36: {  	p1 =	seq.s32 s10, $0x1;
	s10 =	sld [smem:$0x3FB6];
	_ =	sdelay $0x3  }
0x37: {  	[smem:$0x3FB6] =	sst s10  }
0x38: {  	s10 =	sld [smem:$0x3FB7]  }
0x39: {  	_ = 	snop;
	(pc) =	sbr.ind lr, $3  }
0x3a: {  	_ = 	snop  }
0x3b: {  	_ = 	snop  }
0x3c: {  	p2 =	seq.s32 s10, $0x1;
	s10 =	sld [smem:$0x3FB6]  }
0x3d: {  	_ =	shalt  }
0x3e: {  	_ =	shalt  }
0x3f: {  	_ =	shalt  }
0x40: {  	_ =	shalt  }
0x41: {  	_ =	shalt  }
0x42: {  	_ =	shalt  }
0x43: {  	_ =	shalt  }
0x44: {  	_ =	shalt  }
0x45: {  	_ =	shalt  }
0x46: {  	_ =	shalt  }
0x47: {  	_ =	shalt  }
0x48: {  	_ =	shalt  }
0x49: {  	_ =	shalt  }
0x4a: {  	_ =	shalt  }
0x4b: {  	_ =	shalt  }
0x4c: {  	_ =	shalt  }
0x4d: {  	_ =	shalt  }
0x4e: {  	_ =	shalt  }
0x4f: {  	_ =	shalt  }
0x50: {  	_ =	shalt  }
0x51: {  	_ =	shalt  }
0x52: {  	_ =	shalt  }
0x53: {  	_ =	shalt  }
0x54: {  	_ =	shalt  }
0x55: {  	_ =	shalt  }
0x56: {  	_ =	shalt  }
0x57: {  	_ =	shalt  }
0x58: {  	_ =	shalt  }
0x59: {  	_ =	shalt  }
0x5a: {  	_ =	shalt  }
0x5b: {  	_ =	shalt  }
0x5c: {  	_ =	shalt  }
0x5d: {  	_ =	shalt  }
0x5e: {  	_ =	shalt  }
0x5f: {  	_ =	shalt  }
0x60: {  	_ =	shalt  }
0x61: {  	_ =	shalt  }
0x62: {  	_ =	shalt  }
0x63: {  	_ =	shalt  }
0x64: {  	_ =	shalt  }
0x65: {  	_ =	shalt  }
0x66: {  	_ =	shalt  }
0x67: {  	_ =	shalt  }
0x68: {  	_ =	shalt  }
0x69: {  	_ =	shalt  }
0x6a: {  	_ =	shalt  }
0x6b: {  	_ =	shalt  }
0x6c: {  	_ =	shalt  }
0x6d: {  	_ =	shalt  }
0x6e: {  	_ =	shalt  }
0x6f: {  	_ =	shalt  }
0x70: {  	_ =	shalt  }
0x71: {  	_ =	shalt  }
0x72: {  	_ =	shalt  }
0x73: {  	_ =	shalt  }
0x74: {  	_ =	shalt  }
0x75: {  	_ =	shalt  }
0x76: {  	_ =	shalt  }
0x77: {  	_ =	shalt  }
0x78: {  	_ =	shalt  }
0x79: {  	_ =	shalt  }
0x7a: {  	_ =	shalt  }
0x7b: {  	_ =	shalt  }
0x7c: {  	_ =	shalt  }
0x7d: {  	_ =	shalt  }
0x7e: {  	_ =	shalt  }
0x7f: {  	_ =	shalt  }
0x80: {  	_ =	shalt  }
0x81: {  	_ =	shalt  }
0x82: {  	_ =	shalt  }
0x83: {  	_ =	shalt  }
0x84: {  	_ =	shalt  }
0x85: {  	_ =	shalt  }
0x86: {  	_ =	shalt  }
0x87: {  	_ =	shalt  }
.Lfunc_end0:
.L_simem_size_0:
called_computation.2_lowered:
.L_overlay_start_0:
0x88: {  	s2 =	sld [smem:$0x3FD9]  }
0x89: {  	s3 =	sld [smem:$0x3FFE];
	_ =	sdelay $0x1  }
0x8a: {  	s1 =	srdreg.scid  }
0x8b: {  	s0 =	sand.u32 $0x1, s1  }
0x8c: {  	s16 =	sshll.u32 s0, $0xA;
	s2 =	sadd.s32 s3, s2  }
0x8d: {  	s2 =	sadd.s32 s2, s16  }
0x8e: {  	[smem:$0x3FC2] =	sst s2  }
0x8f: {  	_ = 	snop  }
0x90: {  	(tm) =	ssettm $0x1  }
0x91: {  	s17 =	sld [smem:$0x3FFB];
	_ =	sdelay $0x3  }
0x92: {  	_ =	strace s17  }
0x93: {  	s2 =	sld [smem:$0x3FFC];
	_ =	sdelay $0x3  }
0x94: {  	_ =	strace s2  }
0x95: {  	s2 =	sld [smem:$0x3FFD];
	_ =	sdelay $0x3  }
0x96: {  	_ =	strace s2  }
0x97: {  	_ =	strace $0x8FFFFFFF  }
0x98: {  	s18 =	sld [smem:$0x3FDB];
	_ =	sdelay $0x1  }
0x99: {  	s19 =	simm.s32 $_scs_section_size  }
0x9a: {  	s4 =	simm.s32 $_size__tile_overlayer_lowered;
	s5 =	simm.s32 $_tile_overlayer_lowered  }
0x9b: {  	s22 =	simm.s32 $0x1BFF;
	s21 =	sshll.u32 s5, $0x1;
	s2 =	sadd.s32 s19, s18  }
0x9c: {  	s6 =	simm.s32 $0x0;
	s20 =	sshll.u32 s4, $0x1;
	s4 =	sadd.s32 s21, s2  }
0x9d: {  	[timem:s6], [sflag:s22] =	dma.local [hbm:s4], s20  }
0x9e: {  	_ =	swait.ge [sflag:s22], s20  }
0x9f: {  	s3 =	ssub.s32 $0x0, s20;
	[sflag:s22] =	ssyncset.done $0x0  }
0xa0: {  	[sflag:s22] =	ssyncadd.s32 s3;
	_ =	sdelay $0x1  }
0xa1: {  	s23 =	simm.s32 $0x1B8B  }
0xa2: {  	_ =	swait.ge [sflag:s23], $0x1  }
0xa3: {  	[sflag:s23] =	ssyncset.done $0x0  }
0xa4: {  	s25 =	simm.s32 $0x1B8E;
	s24 =	sld [smem:$0x3FFE];
	[sflag:s23] =	ssyncadd.s32 $0xFFFFFFFF  }
0xa5: {  	s26 =	simm.s32 $execute0_lowered;
	[smem:$0x3FD2] =	sst s25  }
0xa6: {  	s4 =	sshll.u32 s26, $0x1;
	_ =	strace $0x8000004C;
	[dreg:$0x1] =	wrdreg $0xFFFFFFFF  }
0xa7: {  	s28 =	simm.s32 $_size_execute0_lowered;
	s2 =	sadd.s32 s2, s4;
	[dreg:$0x0] =	wrdreg $0x0  }
0xa8: {  	s4 =	sshll.u32 s28, $0x1;
	[dreg:$0x2] =	wrdreg s2  }
0xa9: {  	[dreg:$0x3] =	wrdreg s4  }
0xaa: {  	[dreg:$0x4] =	wrdreg $0xC0  }
0xab: {  	_ =	task [dreg:s6], $0x5FFFF  }
0xac: {  	[dreg:$0x1] =	wrdreg $0xFFFFFFFF  }
0xad: {  	[dreg:$0x0] =	wrdreg $0x60  }
0xae: {  	[dreg:$0x2] =	wrdreg s24  }
0xaf: {  	[dreg:$0x3] =	wrdreg $0x1E5800  }
0xb0: {  	[dreg:$0x4] =	wrdreg $0x9  }
0xb1: {  	_ =	task.clear_ibuf [dreg:s6], $0x5FFFF;
	_ =	strace $0x9000004C  }
0xb2: {  	s29 =	simm.s32 $0x9;
	_ =	strace $0x8000004E  }
0xb3: {  	_ =	swait.ge [sflag:s29], $0x1  }
0xb4: {  	[sflag:s29] =	ssyncadd.s32 $0xFFFFFFFF  }
0xb5: {  	_ =	strace $0x9000004E  }
0xb6: {  	_ =	sfence  }
0xb7: {  	s30 =	sld [smem:$0x0];
	_ =	sdelay $0x2  }
0xb8: {  	s31 =	sshll.u32 s1, $0xD;
	s1 =	sshrl.u32 s1, $0x2  }
0xb9: {  	s3 =	sand.u32 $0x4000, s31;
	s1 =	sadd.s32 s1, s30  }
0xba: {  	s0 =	sor.u32 s3, s0;
	s1 =	sshll.u32 s1, $0x11  }
0xbb: {  	s0 =	sor.u32 s1, s0  }
0xbc: {  	s0 =	sadd.s32 $0x8F2B, s0  }
0xbd: {  	[sflag:s0] =	ssyncadd.remote.s32 $0x1  }
0xbe: {  	_ =	sfence.sel $0xFFFF  }
0xbf: {  	[dreg:$0x0] =	wrdreg $0xFFFFFFFF;
	(pc) =	sbr.abs _section_cstart, $3  }
0xc0: {  	[dreg:$0x1] =	wrdreg $0xFFFFFFFF  }
0xc1: {  	_ =	task.clear_ibuf [dreg:s6], $0x2FFFF;
	_ =	strace $0x9FFFFFFF  }
0xc2: {  	(tm) =	ssettm $0x7FFFFFFF  }
0xc3: {  	_ =	shalt  }
tec
execute0_lowered:
.L_overlay_start_1:
0x0: {  	(tag) =	ssettag $0x1  }
0x1: {  	s7 =	rddreg [dreg:$0x0]  }
0x2: {  	s2 =	rddreg [dreg:$0x1]  }
0x3: {  	s0 =	rddreg [dreg:$0x2]  }
0x4: {  	s4 =	srdreg.scid;
	s1 =	stileid.u32  }
0x5: {  	s3 =	simm.s32 $0x0;
	s13 =	simm.s32 $0x18700;
	s14 =	simm.s32 $0x1A680  }
0x6: {  	s15 =	simm.s32 $0x1F40;
	s16 =	simm.s32 $0x0;
	s8 =	sand.u32 $0x1, s4  }
0x7: {  	s9 =	smul.u32 $0x1870, s1;
	[smem:$0x7FF] =	sst s3;
	s4 =	sadd.s32 $0xC5200, s7  }
0x8: {  	s5 =	sadd.s32 $0x1C00, s7;
	s12 =	sshll.u32 s1, $0x1;
	s6 =	smul.u32 $0x18700, s8  }
0x9: {  	_ =	strace $0x8000004D;
	s11 =	ssub.s32 $0x2, s8;
	s8 =	sor.u32 s8, s12  }
0xa: {  	s12 =	simm.s32 $0x1C600;
	s31 =	sshrl.u32 s11, $0x1;
	s10 =	sadd.s32 s9, s6  }
0xb: {  	s8 =	smul.u32 $0x30D40, s8;
	s6 =	sadd.s32 $0x188800, s7;
	s10 =	sshrl.u32 s10, $0x3  }
0xc: {  	s11 =	ssub.s32 s11, s31;
	s10 =	sadd.s32 s10, s7;
	s7 =	sadd.s32 s9, s2  }
0xd: {  	v0 =	vimm.f32 $0.0e+00;
	s9 =	sadd.s32 $0x18BA00, s10;
	s10 =	smax.u32 s11, $0x1;
	s11 =	simm.s32 $0x1  }
.LBB2_1:
0xe: {  	[tilespmem:s3], [sflag:$0x1] =	stream.linear.gather [hbm4b:s6+s3], $0x18700, $0x38;
	[tilespmem:$0x1FDF0] =	vst v63  }
0xf: {  	_ =	swait.ge [sflag:s11], $0x18700  }
0x10: {  	[sflag:s11] =	ssyncset.done $0x0  }
0x11: {  	s17 =	simm.s32 $0x40;
	s18 =	simm.s32 $0x0;
	[sflag:s11] =	ssyncadd.s32 $0xFFFE7900  }
.LBB2_2:
0x12: {  	p0 =	sne.s32 s17, $0x6180;
	[tilespmem:s18+$0x1C600] =	vst v0;
	s18 =	smov.u32 s17;
	s17 =	sadd.s32 $0x40, s17  }
.Ltmp0:
0x13: {  	(pc) =	sbr.rel @p0 .LBB2_2-.Ltmp0, $2  }
0x14: {  	_ =	sdelay $0x2  }
0x15: {  	s18 =	sshra.s32 s18, $0x2  }
0x16: {  	[tilespmem:s18+$0x1C600] =	vst v0  }
0x17: {  	[spmem:s7] =	stream.linear.scatter [tilespmem:s12], [sflag:$0x1], $0x1870, $0x38;
	[tilespmem:$0x1FDF0] =	vst v63  }
0x18: {  	_ =	swait.ge [sflag:s11], $0x1870  }
0x19: {  	[sflag:s11] =	ssyncset.done $0x0  }
0x1a: {  	[sflag:s11] =	ssyncadd.s32 $0xFFFFE790  }
0x1b: {  	s17 =	simm.s32 $0x0;
	s18 =	simm.s32 $0x0;
	[bflag:$0x0] =	sbarrier.arrive $0xFFFF  }
.LBB2_4:
0x1c: {  	s19 =	smul.u32 $0x1F40, s18;
	_ =	sdelay $0x1  }
0x1d: {  	s19 =	sadd.s32 s8, s19  }
0x1e: {  	s19 =	sshrl.u32 s19, $0x3  }
0x1f: {  	s20 =	sadd.s32 s4, s19  }
0x20: {  	[tilespmem:s13], [sflag:$0x1] =	stream.linear.gather [hbm4b:s20+s17], $0x1F40, $0x38;
	[tilespmem:$0x1FDF0] =	vst v63  }
0x21: {  	_ =	swait.ge [sflag:s11], $0x1F40  }
0x22: {  	[sflag:s11] =	ssyncset.done $0x0  }
0x23: {  	s19 =	sadd.s32 s5, s19;
	[sflag:s11] =	ssyncadd.s32 $0xFFFFE0C0  }
0x24: {  	[tilespmem:s14], [sflag:$0x1] =	stream.linear.gather [hbm4b:s19+s17], $0x1F40, $0x38;
	[tilespmem:$0x1FDF0] =	vst v63  }
0x25: {  	_ =	swait.ge [sflag:s11], $0x1F40  }
0x26: {  	[sflag:s11] =	ssyncset.done $0x0  }
0x27: {  	s19 =	simm.s32 $0x0;
	[sflag:s11] =	ssyncadd.s32 $0xFFFFE0C0  }
0x28: {  	v1 =	vld [tilespmem:s19+$0x18700];
	_ =	sdelay $0x7  }
0x29: {  	s21 =	simm.s32 $0x80;
	s20 =	simm.s32 $0x10;
	v1 =	vld.idx.msk [tilespmem:v1+s3+$0x0], $0xffff  }
.LBB2_5:
0x2a: {  	p0 =	sne.s32 s21, $0x7CC0;
	v2 =	vld [tilespmem:s20+$0x18700];
	_ =	sdelay $0x3  }
.Ltmp1:
0x2b: {  	(pc) =	sbr.rel @p0 .LBB2_5-.Ltmp1, $2  }
0x2c: {  	[tilespmem:s19+$0x1C600] =	vst v1;
	s19 =	smov.u32 s20;
	_ =	sdelay $0x2  }
0x2d: {  	s20 =	sshra.s32 s21, $0x2;
	s21 =	sadd.s32 $0x40, s21;
	v1 =	vld.idx.msk [tilespmem:v2+s3+$0x0], $0xffff  }
0x2e: {  	v2 =	vld [tilespmem:s20+$0x18700];
	_ =	sdelay $0x6  }
0x2f: {  	[tilespmem:s19+$0x1C600] =	vst v1  }
0x30: {  	v1 =	vld.idx.msk [tilespmem:v2+s3+$0x0], $0xffff;
	_ =	sdelay $0x2  }
0x31: {  	s18 =	sadd.s32 $0x1, s18  }
0x32: {  	p0 =	sne.s32 s18, $0x19  }
.Ltmp2:
0x33: {  	[tilespmem:s20+$0x1C600] =	vst v1;
	(pc) =	sbr.rel @p0 .LBB2_4-.Ltmp2, $4  }
0x34: {  	[spmem:s2] =	stream.indirect.scatter.add.f32 [tilespmem:s12], [sflag:$0x1], $0x1, s14, s15, $0xb8;
	[tilespmem:$0x1FDF0] =	vst v63  }
0x35: {  	_ =	swait.ge [sflag:s11], $0x1F40  }
0x36: {  	[sflag:s11] =	ssyncset.done $0x0  }
0x37: {  	[sflag:s11] =	ssyncadd.s32 $0xFFFFE0C0  }
0x38: {  	[bflag:$0x0] =	sbarrier.arrive $0xFFFF  }
0x39: {  	[tilespmem:s12], [sflag:$0x1] =	stream.linear.gather [spmem:s7], $0x1870, $0x38;
	[tilespmem:$0x1FDF0] =	vst v63  }
0x3a: {  	s16 =	sadd.s32 $0x1, s16;
	_ =	swait.ge [sflag:s11], $0x1870  }
0x3b: {  	p0 =	sne.s32 s16, s10;
	[sflag:s11] =	ssyncset.done $0x0  }
.Ltmp3:
0x3c: {  	[sflag:s11] =	ssyncadd.s32 $0xFFFFE790;
	(pc) =	sbr.rel @p0 .LBB2_1-.Ltmp3, $4  }
0x3d: {  	[hbm4b:s9+s3] =	stream.linear.scatter [tilespmem:s12], [sflag:$0x1], $0x1870, $0x38;
	[tilespmem:$0x1FDF0] =	vst v63  }
0x3e: {  	_ =	swait.ge [sflag:s11], $0x1870  }
0x3f: {  	[sflag:s11] =	ssyncset.done $0x0  }
0x40: {  	[sflag:s11] =	ssyncadd.s32 $0xFFFFE790  }
0x41: {  	_ =	sfence.sel $0x180000  }
0x42: {  	[bflag:$0x0] =	sbarrier.arrive $0xFFFF  }
0x43: {  	p0 =	sne.s32 s1, $0x0;
	_ =	strace $0x9000004D  }
0x44: {  	s0 =	sadd.s32 @!p0 $0x100000, s0;
	[bflag:$0x2] =	sbarrier.arrive $0xFFFF  }
0x45: {  	[sflag:s0] =	ssyncadd.tile.s32 @!p0 $0x1;
	_ =	shalt  }
.Lfunc_end2:
_tile_overlayer_lowered:
.L_overlay_start_2:
0x46: {  	(tag) =	ssettag $0x2  }
0x47: {  	s0 =	rddreg [dreg:$0x0];
	s2 =	stileid.u32  }
0x48: {  	s1 =	rddreg [dreg:$0x1];
	p0 =	sne.s32 s2, $0x0  }
0x49: {  	s3 =	rddreg [dreg:$0x2];
	[bflag:$0x3] =	sbarrier.arrive $0xFFFF;
	s2 =	simm.s32 @!p0 $0x1C01  }
0x4a: {  	[timem:s3], [sflag:s2] =	dma.local @!p0 [hbm:s0], s1  }
0x4b: {  	s0 =	simm.s32 @!p0 $0x1  }
0x4c: {  	_ =	swait.ge @!p0 [sflag:s0], s1  }
0x4d: {  	s1 =	ssub.s32 @!p0 $0x0, s1;
	[sflag:s0] =	ssyncset.done @!p0 $0x0  }
0x4e: {  	[sflag:s0] =	ssyncadd.s32 @!p0 s1  }
0x4f: {  	[bflag:$0x3] =	sbarrier.arrive $0xFFFF  }
0x50: {  	_ =	shalt  }

// kernel: kernel.8.cloned.1.call-start
scs
__scs_entry_jumppad:
0x0: {  	(pc) =	sbr.rel $0x88, $3  }
0x1: {  	(tag) =	ssettag $0x0;
	lr =	simm.s32 $0x1  }
0x2: {  	[smem:$0x3F9B] =	sst lr;
	_ =	strace $0xD0000000  }
0x3: {  	_ = 	snop  }
0x4: {  	_ = 	snop  }
0x5: {  	_ = 	snop  }
0x6: {  	_ = 	snop  }
0x7: {  	_ = 	snop  }
__scs_overlays_trampoline_lowered:
0x8: {  	[smem:$0x3FAA] =	sst s0  }
0x9: {  	[smem:$0x3FAB] =	sst s1  }
0xa: {  	[smem:$0x3FAC] =	sst s2  }
0xb: {  	[smem:$0x3FAD] =	sst s3  }
0xc: {  	[smem:$0x3FAE] =	sst s4  }
0xd: {  	[smem:$0x3FAF] =	sst s5  }
0xe: {  	[smem:$0x3FB0] =	sst s6  }
0xf: {  	[smem:$0x3FB1] =	sst s7  }
0x10: {  	[smem:$0x3FB2] =	sst s8  }
0x11: {  	[smem:$0x3FB3] =	sst s9;
	s0 =	simm.s32 @!p0 $0x0  }
0x12: {  	s1 =	sld [smem:$0x3F99];
	s0 =	simm.s32 @p0 $0x1  }
0x13: {  	[smem:$0x3FB4] =	sst s0;
	s0 =	simm.s32 @!p1 $0x0  }
0x14: {  	s2 =	sld [smem:$0x3F98];
	s0 =	simm.s32 @p1 $0x1  }
0x15: {  	[smem:$0x3FB5] =	sst s0;
	s0 =	simm.s32 @!p2 $0x0  }
0x16: {  	s3 =	sld [smem:$0x3FDB];
	s0 =	simm.s32 @p2 $0x1  }
0x17: {  	s4 =	simm.s32 $0x1BF5;
	[smem:$0x3FB7] =	sst s0  }
0x18: {  	s0 =	sld [smem:$0x3F9A];
	_ =	swait.ge [sflag:s4], $0x0  }
0x19: {  	s7 =	sld [smem:$0x3F9B]  }
0x1a: {  	s8 =	sadd.s32 $0xFFFFE003, lr  }
0x1b: {  	s9 =	sadd.s32 $0xFFFFFEF7, lr;
	s5 =	simm.s32 $0xFFFFFFFF;
	p2 =	slt.u32 s8, $0xFFFFF086  }
0x1c: {  	p1 =	slt.u32 s9, $0xF7A;
	s5 =	simm.s32 @!p2 $0x0  }
0x1d: {  	s5 =	simm.s32 @p1 $0x1;
	p0 =	seq.s32 s7, s2  }
0x1e: {  	s7 =	smul.u32 @!p0 $0xF7A, s2;
	p2 =	seq.s32 @!p0 s5, $0x0  }
0x1f: {  	s9 =	smul.u32 $0xF7A, s1;
	s8 =	simm.s32 @!p0 $0x1BF5;
	p2 =	por !p2, p0  }
0x20: {  	[sflag:s8] =	ssyncset.s32 @!p0 $0xFFFFF086;
	s6 =	sadd.s32 @!p0 s3, s7;
	s7 =	simm.s32 @!p0 $0x108  }
0x21: {  	s3 =	sadd.s32 s3, s9;
	s6 =	sadd.s32 @!p0 $0x88, s6;
	s7 =	simm.s32 @p2 $0x1082  }
0x22: {  	[simem:s7], [sflag:s8] =	dma.local @!p0 [hbm:s6], $0xF7A  }
0x23: {  	s9 =	sor.u32 $0xD0000000, s2;
	s6 =	simm.s32 $0x108;
	_ =	swait.ge @!p0 [sflag:s8], $0x0  }
0x24: {  	s3 =	sadd.s32 $0x88, s3;
	s6 =	simm.s32 @!p1 $0x1082;
	[sflag:s4] =	ssyncset.s32 $0xFFFFF086  }
0x25: {  	[simem:s6], [sflag:s4] =	dma.local [hbm:s3], $0xF7A  }
0x26: {  	[smem:$0x3F9B] =	sst s1;
	(tag) =	ssettag s2;
	_ =	strace s9  }
0x27: {  	s1 =	sld [smem:$0x3FAB]  }
0x28: {  	s2 =	sld [smem:$0x3FAC]  }
0x29: {  	s4 =	sld [smem:$0x3FAE]  }
0x2a: {  	p0 =	seq.s32 s5, $0x0;
	s5 =	sld [smem:$0x3FAF]  }
0x2b: {  	s6 =	sld [smem:$0x3FB0]  }
0x2c: {  	s7 =	sld [smem:$0x3FB1]  }
0x2d: {  	s3 =	simm.s32 $0x108;
	s8 =	sld [smem:$0x3FB2]  }
0x2e: {  	s3 =	simm.s32 @!p0 $0x1082;
	s9 =	sld [smem:$0x3FB3]  }
0x2f: {  	lr =	sadd.s32 s0, s3;
	s0 =	sld [smem:$0x3FAA]  }
0x30: {  	s3 =	sld [smem:$0x3FAD]  }
0x31: {  	[smem:$0x3FB6] =	sst s10  }
0x32: {  	s10 =	sld [smem:$0x3FB4];
	_ =	sdelay $0x3  }
0x33: {  	p0 =	seq.s32 s10, $0x1;
	s10 =	sld [smem:$0x3FB6];
	_ =	sdelay $0x3  }
0x34: {  	[smem:$0x3FB6] =	sst s10  }
0x35: {  	s10 =	sld [smem:$0x3FB5];
	_ =	sdelay $0x3  }
0x36: {  	p1 =	seq.s32 s10, $0x1;
	s10 =	sld [smem:$0x3FB6];
	_ =	sdelay $0x3  }
0x37: {  	[smem:$0x3FB6] =	sst s10  }
0x38: {  	s10 =	sld [smem:$0x3FB7]  }
0x39: {  	_ = 	snop;
	(pc) =	sbr.ind lr, $3  }
0x3a: {  	_ = 	snop  }
0x3b: {  	_ = 	snop  }
0x3c: {  	p2 =	seq.s32 s10, $0x1;
	s10 =	sld [smem:$0x3FB6]  }
0x3d: {  	_ =	shalt  }
0x3e: {  	_ =	shalt  }
0x3f: {  	_ =	shalt  }
0x40: {  	_ =	shalt  }
0x41: {  	_ =	shalt  }
0x42: {  	_ =	shalt  }
0x43: {  	_ =	shalt  }
0x44: {  	_ =	shalt  }
0x45: {  	_ =	shalt  }
0x46: {  	_ =	shalt  }
0x47: {  	_ =	shalt  }
0x48: {  	_ =	shalt  }
0x49: {  	_ =	shalt  }
0x4a: {  	_ =	shalt  }
0x4b: {  	_ =	shalt  }
0x4c: {  	_ =	shalt  }
0x4d: {  	_ =	shalt  }
0x4e: {  	_ =	shalt  }
0x4f: {  	_ =	shalt  }
0x50: {  	_ =	shalt  }
0x51: {  	_ =	shalt  }
0x52: {  	_ =	shalt  }
0x53: {  	_ =	shalt  }
0x54: {  	_ =	shalt  }
0x55: {  	_ =	shalt  }
0x56: {  	_ =	shalt  }
0x57: {  	_ =	shalt  }
0x58: {  	_ =	shalt  }
0x59: {  	_ =	shalt  }
0x5a: {  	_ =	shalt  }
0x5b: {  	_ =	shalt  }
0x5c: {  	_ =	shalt  }
0x5d: {  	_ =	shalt  }
0x5e: {  	_ =	shalt  }
0x5f: {  	_ =	shalt  }
0x60: {  	_ =	shalt  }
0x61: {  	_ =	shalt  }
0x62: {  	_ =	shalt  }
0x63: {  	_ =	shalt  }
0x64: {  	_ =	shalt  }
0x65: {  	_ =	shalt  }
0x66: {  	_ =	shalt  }
0x67: {  	_ =	shalt  }
0x68: {  	_ =	shalt  }
0x69: {  	_ =	shalt  }
0x6a: {  	_ =	shalt  }
0x6b: {  	_ =	shalt  }
0x6c: {  	_ =	shalt  }
0x6d: {  	_ =	shalt  }
0x6e: {  	_ =	shalt  }
0x6f: {  	_ =	shalt  }
0x70: {  	_ =	shalt  }
0x71: {  	_ =	shalt  }
0x72: {  	_ =	shalt  }
0x73: {  	_ =	shalt  }
0x74: {  	_ =	shalt  }
0x75: {  	_ =	shalt  }
0x76: {  	_ =	shalt  }
0x77: {  	_ =	shalt  }
0x78: {  	_ =	shalt  }
0x79: {  	_ =	shalt  }
0x7a: {  	_ =	shalt  }
0x7b: {  	_ =	shalt  }
0x7c: {  	_ =	shalt  }
0x7d: {  	_ =	shalt  }
0x7e: {  	_ =	shalt  }
0x7f: {  	_ =	shalt  }
0x80: {  	_ =	shalt  }
0x81: {  	_ =	shalt  }
0x82: {  	_ =	shalt  }
0x83: {  	_ =	shalt  }
0x84: {  	_ =	shalt  }
0x85: {  	_ =	shalt  }
0x86: {  	_ =	shalt  }
0x87: {  	_ =	shalt  }
.Lfunc_end0:
.L_simem_size_0:
called_computation_lowered:
.L_overlay_start_0:
0x88: {  	s2 =	sld [smem:$0x3FD9]  }
0x89: {  	s3 =	sld [smem:$0x3FFE];
	_ =	sdelay $0x1  }
0x8a: {  	s1 =	srdreg.scid  }
0x8b: {  	s0 =	sand.u32 $0x1, s1  }
0x8c: {  	s16 =	sshll.u32 s0, $0xA;
	s2 =	sadd.s32 s3, s2  }
0x8d: {  	s2 =	sadd.s32 s2, s16  }
0x8e: {  	[smem:$0x3FC2] =	sst s2  }
0x8f: {  	_ = 	snop  }
0x90: {  	(tm) =	ssettm $0x1  }
0x91: {  	s17 =	sld [smem:$0x3FFB];
	_ =	sdelay $0x3  }
0x92: {  	_ =	strace s17  }
0x93: {  	s2 =	sld [smem:$0x3FFC];
	_ =	sdelay $0x3  }
0x94: {  	_ =	strace s2  }
0x95: {  	s2 =	sld [smem:$0x3FFD];
	_ =	sdelay $0x3  }
0x96: {  	_ =	strace s2  }
0x97: {  	_ =	strace $0x8FFFFFFF  }
0x98: {  	s18 =	sld [smem:$0x3FDB];
	_ =	sdelay $0x1  }
0x99: {  	s19 =	simm.s32 $_scs_section_size  }
0x9a: {  	s4 =	simm.s32 $_size__tile_overlayer_lowered;
	s5 =	simm.s32 $_tile_overlayer_lowered  }
0x9b: {  	s22 =	simm.s32 $0x1BFF;
	s21 =	sshll.u32 s5, $0x1;
	s2 =	sadd.s32 s19, s18  }
0x9c: {  	s6 =	simm.s32 $0x0;
	s20 =	sshll.u32 s4, $0x1;
	s4 =	sadd.s32 s21, s2  }
0x9d: {  	[timem:s6], [sflag:s22] =	dma.local [hbm:s4], s20  }
0x9e: {  	_ =	swait.ge [sflag:s22], s20  }
0x9f: {  	s3 =	ssub.s32 $0x0, s20;
	[sflag:s22] =	ssyncset.done $0x0  }
0xa0: {  	[sflag:s22] =	ssyncadd.s32 s3;
	_ =	sdelay $0x1  }
0xa1: {  	s23 =	simm.s32 $0x1B8B  }
0xa2: {  	_ =	swait.ge [sflag:s23], $0x1  }
0xa3: {  	[sflag:s23] =	ssyncset.done $0x0  }
0xa4: {  	s25 =	simm.s32 $0x1B8E;
	s24 =	sld [smem:$0x3FFE];
	[sflag:s23] =	ssyncadd.s32 $0xFFFFFFFF  }
0xa5: {  	s26 =	simm.s32 $execute0_lowered;
	[smem:$0x3FD2] =	sst s25  }
0xa6: {  	s4 =	sshll.u32 s26, $0x1;
	_ =	strace $0x80000046;
	[dreg:$0x1] =	wrdreg $0xFFFFFFFF  }
0xa7: {  	s28 =	simm.s32 $_size_execute0_lowered;
	s2 =	sadd.s32 s2, s4;
	[dreg:$0x0] =	wrdreg $0x0  }
0xa8: {  	s4 =	sshll.u32 s28, $0x1;
	[dreg:$0x2] =	wrdreg s2  }
0xa9: {  	[dreg:$0x3] =	wrdreg s4  }
0xaa: {  	[dreg:$0x4] =	wrdreg $0xC0  }
0xab: {  	_ =	task [dreg:s6], $0x5FFFF  }
0xac: {  	[dreg:$0x1] =	wrdreg $0xFFFFFFFF  }
0xad: {  	[dreg:$0x0] =	wrdreg $0x60  }
0xae: {  	[dreg:$0x2] =	wrdreg s24  }
0xaf: {  	[dreg:$0x3] =	wrdreg $0xB5800  }
0xb0: {  	[dreg:$0x4] =	wrdreg $0x9  }
0xb1: {  	_ =	task.clear_ibuf [dreg:s6], $0x5FFFF;
	_ =	strace $0x90000046  }
0xb2: {  	s29 =	simm.s32 $0x9;
	_ =	strace $0x80000048  }
0xb3: {  	_ =	swait.ge [sflag:s29], $0x1  }
0xb4: {  	[sflag:s29] =	ssyncadd.s32 $0xFFFFFFFF  }
0xb5: {  	_ =	strace $0x90000048  }
0xb6: {  	_ =	sfence  }
0xb7: {  	s30 =	sld [smem:$0x0];
	_ =	sdelay $0x2  }
0xb8: {  	s31 =	sshll.u32 s1, $0xD;
	s1 =	sshrl.u32 s1, $0x2  }
0xb9: {  	s3 =	sand.u32 $0x4000, s31;
	s1 =	sadd.s32 s1, s30  }
0xba: {  	s0 =	sor.u32 s3, s0;
	s1 =	sshll.u32 s1, $0x11  }
0xbb: {  	s0 =	sor.u32 s1, s0  }
0xbc: {  	s0 =	sadd.s32 $0x8F2B, s0  }
0xbd: {  	[sflag:s0] =	ssyncadd.remote.s32 $0x1  }
0xbe: {  	_ =	sfence.sel $0xFFFF  }
0xbf: {  	[dreg:$0x0] =	wrdreg $0xFFFFFFFF;
	(pc) =	sbr.abs _section_cstart, $3  }
0xc0: {  	[dreg:$0x1] =	wrdreg $0xFFFFFFFF  }
0xc1: {  	_ =	task.clear_ibuf [dreg:s6], $0x2FFFF;
	_ =	strace $0x9FFFFFFF  }
0xc2: {  	(tm) =	ssettm $0x7FFFFFFF  }
0xc3: {  	_ =	shalt  }
tec
execute0_lowered:
.L_overlay_start_1:
0x0: {  	(tag) =	ssettag $0x1  }
0x1: {  	s4 =	rddreg [dreg:$0x0]  }
0x2: {  	s2 =	rddreg [dreg:$0x1]  }
0x3: {  	s0 =	rddreg [dreg:$0x2];
	s3 =	srdreg.scid  }
0x4: {  	s1 =	stileid.u32;
	s17 =	simm.s32 $0x9D00;
	s18 =	simm.s32 $0x1  }
0x5: {  	s19 =	simm.s32 $0x4E20;
	s20 =	simm.s32 $0x4E80;
	s21 =	simm.s32 $0x0  }
0x6: {  	s5 =	sand.u32 $0x1, s3;
	s6 =	sshll.u32 s1, $0x1;
	s7 =	smul.u32 $0x1870, s1  }
0x7: {  	s3 =	simm.s32 $0x0;
	s6 =	sor.u32 s5, s6;
	s8 =	smul.u32 $0x18700, s5  }
0x8: {  	[smem:$0x7FF] =	sst s3;
	s5 =	ssub.s32 $0x2, s5;
	s6 =	smul.u32 $0x30D40, s6  }
0x9: {  	_ =	strace $0x80000047;
	s9 =	sshrl.u32 s5, $0x1;
	s8 =	sadd.s32 s7, s8  }
0xa: {  	s31 =	ssub.s32 s5, s9;
	s6 =	sshrl.u32 s6, $0x3;
	s8 =	sshrl.u32 s8, $0x3  }
0xb: {  	s16 =	sadd.s32 s6, s4;
	s30 =	sadd.s32 s8, s4;
	s4 =	sadd.s32 s7, s2  }
0xc: {  	s7 =	smax.u32 s31, $0x1;
	s5 =	sadd.s32 $0x188800, s30;
	s6 =	sadd.s32 $0x1C00, s16  }
0xd: {  	s8 =	sadd.s32 $0x25C4, s16;
	s9 =	sadd.s32 $0x2F88, s16;
	s10 =	sadd.s32 $0x394C, s16  }
0xe: {  	s11 =	sadd.s32 $0x4310, s16;
	s12 =	sadd.s32 $0x4CD4, s16;
	s13 =	sadd.s32 $0x5698, s16  }
0xf: {  	v0 =	vimm.f32 $1.000000000e+00;
	v1 =	vimm.f32 $0.0e+00;
	s14 =	sadd.s32 $0x605C, s16;
	s15 =	sadd.s32 $0x6A20, s16;
	s16 =	sadd.s32 $0x73E4, s16  }
.LBB2_1:
0x10: {  	s22 =	simm.s32 $0x0  }
.LBB2_2:
0x11: {  	p0 =	sne.s32 s22, $0x13840  }
.Ltmp0:
0x12: {  	_ = 	snop;
	(pc) =	sbr.rel @p0 .LBB2_2-.Ltmp0, $3  }
0x13: {  	_ =	sdelay $0x1  }
0x14: {  	s23 =	sshra.s32 s22, $0x2  }
0x15: {  	s22 =	sadd.s32 $0x40, s22;
	[tilespmem:s23+$0x4E80] =	vst v0  }
0x16: {  	s22 =	simm.s32 $0x40;
	s23 =	simm.s32 $0x0  }
.LBB2_4:
0x17: {  	p0 =	sne.s32 s22, $0x6180;
	[tilespmem:s23+$0x9D00] =	vst v1;
	s23 =	smov.u32 s22;
	s22 =	sadd.s32 $0x40, s22  }
.Ltmp1:
0x18: {  	(pc) =	sbr.rel @p0 .LBB2_4-.Ltmp1, $2  }
0x19: {  	_ =	sdelay $0x2  }
0x1a: {  	s23 =	sshra.s32 s23, $0x2  }
0x1b: {  	[tilespmem:s23+$0x9D00] =	vst v1  }
0x1c: {  	[spmem:s4] =	stream.linear.scatter [tilespmem:s17], [sflag:$0x1], $0x1870, $0x38;
	[tilespmem:$0xCDF0] =	vst v63  }
0x1d: {  	_ =	swait.ge [sflag:s18], $0x1870  }
0x1e: {  	[sflag:s18] =	ssyncset.done $0x0  }
0x1f: {  	[sflag:s18] =	ssyncadd.s32 $0xFFFFE790  }
0x20: {  	[bflag:$0x0] =	sbarrier.arrive $0xFFFF  }
0x21: {  	[tilespmem:s3], [sflag:$0x1] =	stream.linear.gather [hbm4b:s6+s3], $0x4E20, $0x38;
	[tilespmem:$0xCDF0] =	vst v63  }
0x22: {  	_ =	swait.ge [sflag:s18], $0x4E20  }
0x23: {  	[sflag:s18] =	ssyncset.done $0x0  }
0x24: {  	[sflag:s18] =	ssyncadd.s32 $0xFFFFB1E0  }
0x25: {  	[spmem:s2] =	stream.indirect.scatter.add.f32 [tilespmem:s20], [sflag:$0x1], $0x1, s3, s19, $0xb8;
	[tilespmem:$0xCDF0] =	vst v63  }
0x26: {  	_ =	swait.ge [sflag:s18], $0x4E20  }
0x27: {  	[sflag:s18] =	ssyncset.done $0x0  }
0x28: {  	[sflag:s18] =	ssyncadd.s32 $0xFFFFB1E0  }
0x29: {  	[tilespmem:s3], [sflag:$0x1] =	stream.linear.gather [hbm4b:s8+s3], $0x4E20, $0x38;
	[tilespmem:$0xCDF0] =	vst v63  }
0x2a: {  	_ =	swait.ge [sflag:s18], $0x4E20  }
0x2b: {  	[sflag:s18] =	ssyncset.done $0x0  }
0x2c: {  	[sflag:s18] =	ssyncadd.s32 $0xFFFFB1E0  }
0x2d: {  	[spmem:s2] =	stream.indirect.scatter.add.f32 [tilespmem:s20], [sflag:$0x1], $0x1, s3, s19, $0xb8;
	[tilespmem:$0xCDF0] =	vst v63  }
0x2e: {  	_ =	swait.ge [sflag:s18], $0x4E20  }
0x2f: {  	[sflag:s18] =	ssyncset.done $0x0  }
0x30: {  	[sflag:s18] =	ssyncadd.s32 $0xFFFFB1E0  }
0x31: {  	[tilespmem:s3], [sflag:$0x1] =	stream.linear.gather [hbm4b:s9+s3], $0x4E20, $0x38;
	[tilespmem:$0xCDF0] =	vst v63  }
0x32: {  	_ =	swait.ge [sflag:s18], $0x4E20  }
0x33: {  	[sflag:s18] =	ssyncset.done $0x0  }
0x34: {  	[sflag:s18] =	ssyncadd.s32 $0xFFFFB1E0  }
0x35: {  	[spmem:s2] =	stream.indirect.scatter.add.f32 [tilespmem:s20], [sflag:$0x1], $0x1, s3, s19, $0xb8;
	[tilespmem:$0xCDF0] =	vst v63  }
0x36: {  	_ =	swait.ge [sflag:s18], $0x4E20  }
0x37: {  	[sflag:s18] =	ssyncset.done $0x0  }
0x38: {  	[sflag:s18] =	ssyncadd.s32 $0xFFFFB1E0  }
0x39: {  	[tilespmem:s3], [sflag:$0x1] =	stream.linear.gather [hbm4b:s10+s3], $0x4E20, $0x38;
	[tilespmem:$0xCDF0] =	vst v63  }
0x3a: {  	_ =	swait.ge [sflag:s18], $0x4E20  }
0x3b: {  	[sflag:s18] =	ssyncset.done $0x0  }
0x3c: {  	[sflag:s18] =	ssyncadd.s32 $0xFFFFB1E0  }
0x3d: {  	[spmem:s2] =	stream.indirect.scatter.add.f32 [tilespmem:s20], [sflag:$0x1], $0x1, s3, s19, $0xb8;
	[tilespmem:$0xCDF0] =	vst v63  }
0x3e: {  	_ =	swait.ge [sflag:s18], $0x4E20  }
0x3f: {  	[sflag:s18] =	ssyncset.done $0x0  }
0x40: {  	[sflag:s18] =	ssyncadd.s32 $0xFFFFB1E0  }
0x41: {  	[tilespmem:s3], [sflag:$0x1] =	stream.linear.gather [hbm4b:s11+s3], $0x4E20, $0x38;
	[tilespmem:$0xCDF0] =	vst v63  }
0x42: {  	_ =	swait.ge [sflag:s18], $0x4E20  }
0x43: {  	[sflag:s18] =	ssyncset.done $0x0  }
0x44: {  	[sflag:s18] =	ssyncadd.s32 $0xFFFFB1E0  }
0x45: {  	[spmem:s2] =	stream.indirect.scatter.add.f32 [tilespmem:s20], [sflag:$0x1], $0x1, s3, s19, $0xb8;
	[tilespmem:$0xCDF0] =	vst v63  }
0x46: {  	_ =	swait.ge [sflag:s18], $0x4E20  }
0x47: {  	[sflag:s18] =	ssyncset.done $0x0  }
0x48: {  	[sflag:s18] =	ssyncadd.s32 $0xFFFFB1E0  }
0x49: {  	[tilespmem:s3], [sflag:$0x1] =	stream.linear.gather [hbm4b:s12+s3], $0x4E20, $0x38;
	[tilespmem:$0xCDF0] =	vst v63  }
0x4a: {  	_ =	swait.ge [sflag:s18], $0x4E20  }
0x4b: {  	[sflag:s18] =	ssyncset.done $0x0  }
0x4c: {  	[sflag:s18] =	ssyncadd.s32 $0xFFFFB1E0  }
0x4d: {  	[spmem:s2] =	stream.indirect.scatter.add.f32 [tilespmem:s20], [sflag:$0x1], $0x1, s3, s19, $0xb8;
	[tilespmem:$0xCDF0] =	vst v63  }
0x4e: {  	_ =	swait.ge [sflag:s18], $0x4E20  }
0x4f: {  	[sflag:s18] =	ssyncset.done $0x0  }
0x50: {  	[sflag:s18] =	ssyncadd.s32 $0xFFFFB1E0  }
0x51: {  	[tilespmem:s3], [sflag:$0x1] =	stream.linear.gather [hbm4b:s13+s3], $0x4E20, $0x38;
	[tilespmem:$0xCDF0] =	vst v63  }
0x52: {  	_ =	swait.ge [sflag:s18], $0x4E20  }
0x53: {  	[sflag:s18] =	ssyncset.done $0x0  }
0x54: {  	[sflag:s18] =	ssyncadd.s32 $0xFFFFB1E0  }
0x55: {  	[spmem:s2] =	stream.indirect.scatter.add.f32 [tilespmem:s20], [sflag:$0x1], $0x1, s3, s19, $0xb8;
	[tilespmem:$0xCDF0] =	vst v63  }
0x56: {  	_ =	swait.ge [sflag:s18], $0x4E20  }
0x57: {  	[sflag:s18] =	ssyncset.done $0x0  }
0x58: {  	[sflag:s18] =	ssyncadd.s32 $0xFFFFB1E0  }
0x59: {  	[tilespmem:s3], [sflag:$0x1] =	stream.linear.gather [hbm4b:s14+s3], $0x4E20, $0x38;
	[tilespmem:$0xCDF0] =	vst v63  }
0x5a: {  	_ =	swait.ge [sflag:s18], $0x4E20  }
0x5b: {  	[sflag:s18] =	ssyncset.done $0x0  }
0x5c: {  	[sflag:s18] =	ssyncadd.s32 $0xFFFFB1E0  }
0x5d: {  	[spmem:s2] =	stream.indirect.scatter.add.f32 [tilespmem:s20], [sflag:$0x1], $0x1, s3, s19, $0xb8;
	[tilespmem:$0xCDF0] =	vst v63  }
0x5e: {  	_ =	swait.ge [sflag:s18], $0x4E20  }
0x5f: {  	[sflag:s18] =	ssyncset.done $0x0  }
0x60: {  	[sflag:s18] =	ssyncadd.s32 $0xFFFFB1E0  }
0x61: {  	[tilespmem:s3], [sflag:$0x1] =	stream.linear.gather [hbm4b:s15+s3], $0x4E20, $0x38;
	[tilespmem:$0xCDF0] =	vst v63  }
0x62: {  	_ =	swait.ge [sflag:s18], $0x4E20  }
0x63: {  	[sflag:s18] =	ssyncset.done $0x0  }
0x64: {  	[sflag:s18] =	ssyncadd.s32 $0xFFFFB1E0  }
0x65: {  	[spmem:s2] =	stream.indirect.scatter.add.f32 [tilespmem:s20], [sflag:$0x1], $0x1, s3, s19, $0xb8;
	[tilespmem:$0xCDF0] =	vst v63  }
0x66: {  	_ =	swait.ge [sflag:s18], $0x4E20  }
0x67: {  	[sflag:s18] =	ssyncset.done $0x0  }
0x68: {  	[sflag:s18] =	ssyncadd.s32 $0xFFFFB1E0  }
0x69: {  	[tilespmem:s3], [sflag:$0x1] =	stream.linear.gather [hbm4b:s16+s3], $0x4E20, $0x38;
	[tilespmem:$0xCDF0] =	vst v63  }
0x6a: {  	_ =	swait.ge [sflag:s18], $0x4E20  }
0x6b: {  	[sflag:s18] =	ssyncset.done $0x0  }
0x6c: {  	[sflag:s18] =	ssyncadd.s32 $0xFFFFB1E0  }
0x6d: {  	[spmem:s2] =	stream.indirect.scatter.add.f32 [tilespmem:s20], [sflag:$0x1], $0x1, s3, s19, $0xb8;
	[tilespmem:$0xCDF0] =	vst v63  }
0x6e: {  	_ =	swait.ge [sflag:s18], $0x4E20  }
0x6f: {  	[sflag:s18] =	ssyncset.done $0x0  }
0x70: {  	[sflag:s18] =	ssyncadd.s32 $0xFFFFB1E0  }
0x71: {  	[bflag:$0x0] =	sbarrier.arrive $0xFFFF  }
0x72: {  	[tilespmem:s17], [sflag:$0x1] =	stream.linear.gather [spmem:s4], $0x1870, $0x38;
	[tilespmem:$0xCDF0] =	vst v63  }
0x73: {  	s21 =	sadd.s32 $0x1, s21;
	_ =	swait.ge [sflag:s18], $0x1870  }
0x74: {  	p0 =	sne.s32 s21, s7;
	[sflag:s18] =	ssyncset.done $0x0  }
.Ltmp2:
0x75: {  	[sflag:s18] =	ssyncadd.s32 $0xFFFFE790;
	(pc) =	sbr.rel @p0 .LBB2_1-.Ltmp2, $4  }
0x76: {  	[hbm4b:s5+s3] =	stream.linear.scatter [tilespmem:s17], [sflag:$0x1], $0x1870, $0x38;
	[tilespmem:$0xCDF0] =	vst v63  }
0x77: {  	_ =	swait.ge [sflag:s18], $0x1870  }
0x78: {  	[sflag:s18] =	ssyncset.done $0x0  }
0x79: {  	[sflag:s18] =	ssyncadd.s32 $0xFFFFE790  }
0x7a: {  	_ =	sfence.sel $0x180000  }
0x7b: {  	[bflag:$0x0] =	sbarrier.arrive $0xFFFF  }
0x7c: {  	p0 =	sne.s32 s1, $0x0;
	_ =	strace $0x90000047  }
0x7d: {  	s0 =	sadd.s32 @!p0 $0x100000, s0;
	[bflag:$0x2] =	sbarrier.arrive $0xFFFF  }
0x7e: {  	[sflag:s0] =	ssyncadd.tile.s32 @!p0 $0x1;
	_ =	shalt  }
.Lfunc_end2:
_tile_overlayer_lowered:
.L_overlay_start_2:
0x7f: {  	(tag) =	ssettag $0x2  }
0x80: {  	s0 =	rddreg [dreg:$0x0];
	s2 =	stileid.u32  }
0x81: {  	s1 =	rddreg [dreg:$0x1];
	p0 =	sne.s32 s2, $0x0  }
0x82: {  	s3 =	rddreg [dreg:$0x2];
	[bflag:$0x3] =	sbarrier.arrive $0xFFFF;
	s2 =	simm.s32 @!p0 $0x1C01  }
0x83: {  	[timem:s3], [sflag:s2] =	dma.local @!p0 [hbm:s0], s1  }
0x84: {  	s0 =	simm.s32 @!p0 $0x1  }
0x85: {  	_ =	swait.ge @!p0 [sflag:s0], s1  }
0x86: {  	s1 =	ssub.s32 @!p0 $0x0, s1;
	[sflag:s0] =	ssyncset.done @!p0 $0x0  }
0x87: {  	[sflag:s0] =	ssyncadd.s32 @!p0 s1  }
0x88: {  	[bflag:$0x3] =	sbarrier.arrive $0xFFFF  }
0x89: {  	_ =	shalt  }

</sc_bundles>
